<compile_context>
chip_gen: v7x
topology: tpu7x:2x2x1
jax: 0.10.2.dev20260603
libtpu: 0.0.44.dev20260713+nightly
codegen_flags: <defaults>
</compile_context>

<pallas_src>
import jax
import jax.numpy as jnp
from jax import lax
from jax.experimental import pallas as pl
from jax.experimental.pallas import tpu as pltpu
from jax.experimental.pallas import tpu_sc as plsc

NC = 2
NS = 16
L = 16
NW = NC * NS

B = 64
N = 80000
MAXLEN = 120000
ROWS_PER_W = B // NW
CHO = 16000
NCHUNK = N // CHO
PAD = 128
NSTEP = ROWS_PER_W * NCHUNK
NBUF = 3


def _sc_body(wav_hbm, noise_hbm, ridx_hbm, start_hbm, out_hbm,
             nidx_v, widx_v, meta_v, ridx_v, nbuf, wbuf, obuf,
             gsem, wsem, osem):
    wid = lax.axis_index("s") * NC + lax.axis_index("c")
    lane = lax.iota(jnp.int32, L)

    meta_v[...] = jnp.zeros((L,), jnp.int32)
    pltpu.sync_copy(start_hbm, meta_v.at[pl.ds(0, 1)])
    pltpu.sync_copy(ridx_hbm, ridx_v.at[pl.ds(0, B)])
    pair = ridx_v[pl.ds(2 * wid, L)]
    sel = jnp.where(lane < 8, 0, 1)
    nidx_v[...] = jnp.take_along_axis(pair, sel, axis=0)
    widx_v[...] = 2 * wid + jnp.where(lane < 8, 0, 1)

    start_s = jnp.max(meta_v[...])
    c0 = pl.multiple_of(start_s & jnp.int32(-128), 128)
    r = start_s & jnp.int32(127)

    def start_in(k):
        p = lax.rem(k, NBUF)
        t = lax.div(k, NCHUNK)
        c = lax.rem(k, NCHUNK)
        pltpu.async_copy(
            noise_hbm.at[nidx_v.at[pl.ds(8 * t, 1)],
                         pl.ds(c0 + c * CHO, CHO + PAD)],
            nbuf.at[p], gsem.at[p])
        pltpu.async_copy(
            wav_hbm.at[widx_v.at[pl.ds(8 * t, 1)], pl.ds(c * CHO, CHO)],
            wbuf.at[p], wsem.at[p])

    def wait_in(k):
        p = lax.rem(k, NBUF)
        t = lax.div(k, NCHUNK)
        c = lax.rem(k, NCHUNK)
        pltpu.make_async_copy(
            noise_hbm.at[nidx_v.at[pl.ds(8 * t, 1)],
                         pl.ds(c0 + c * CHO, CHO + PAD)],
            nbuf.at[p], gsem.at[p]).wait()
        pltpu.make_async_copy(
            wav_hbm.at[widx_v.at[pl.ds(8 * t, 1)], pl.ds(c * CHO, CHO)],
            wbuf.at[p], wsem.at[p]).wait()

    def out_copy(k):
        p = lax.rem(k, 2)
        t = lax.div(k, NCHUNK)
        c = lax.rem(k, NCHUNK)
        return pltpu.make_async_copy(
            obuf.at[p],
            out_hbm.at[widx_v.at[pl.ds(8 * t, 1)], pl.ds(c * CHO, CHO)],
            osem.at[p])

    start_in(jnp.int32(0))
    start_in(jnp.int32(1))

    def step(k, _):
        p = lax.rem(k, NBUF)
        po = lax.rem(k, 2)

        @pl.when(k + 2 < NSTEP)
        def _():
            start_in(k + 2)

        wait_in(k)

        @pl.when(k >= 2)
        def _():
            out_copy(k - 2).wait()

        @plsc.parallel_loop(0, CHO // L, 1, unroll=16)
        def body(j):
            nv = nbuf[p, 0, pl.ds(r + j * L, L)]
            wv = wbuf[p, 0, pl.ds(j * L, L)]
            res = jnp.float32(0.05) * nv + wv
            res = jnp.minimum(jnp.maximum(res, jnp.float32(-1.0)),
                              jnp.float32(1.0))
            obuf[po, 0, pl.ds(j * L, L)] = res

        out_copy(k).start()
        return _

    lax.fori_loop(0, NSTEP, step, None)
    out_copy(jnp.int32(NSTEP - 2)).wait()
    out_copy(jnp.int32(NSTEP - 1)).wait()


@jax.jit
def _add_noise_sc(waveforms, noise_files, ridx, start_arr):
    mesh = plsc.VectorSubcoreMesh(
        core_axis_name="c", subcore_axis_name="s",
        num_cores=NC, num_subcores=NS,
    )
    fn = pl.kernel(
        _sc_body,
        out_type=jax.ShapeDtypeStruct((B, N), jnp.float32),
        mesh=mesh,
        scratch_types=[
            pltpu.VMEM((L,), jnp.int32),
            pltpu.VMEM((L,), jnp.int32),
            pltpu.VMEM((L,), jnp.int32),
            pltpu.VMEM((B + L,), jnp.int32),
            pltpu.VMEM((NBUF, 1, CHO + PAD), jnp.float32),
            pltpu.VMEM((NBUF, 1, CHO), jnp.float32),
            pltpu.VMEM((2, 1, CHO), jnp.float32),
            pltpu.SemaphoreType.DMA((NBUF,)),
            pltpu.SemaphoreType.DMA((NBUF,)),
            pltpu.SemaphoreType.DMA((2,)),
        ],
        compiler_params=pltpu.CompilerParams(needs_layout_passes=False),
    )
    return fn(waveforms, noise_files, ridx, start_arr)


def kernel(waveforms, lengths, noise_files, random_index, start_index):
    del lengths
    ridx = random_index.astype(jnp.int32)
    start_arr = start_index.astype(jnp.int32).reshape(1)
    return _add_noise_sc(waveforms, noise_files, ridx, start_arr)

# --- scband reference (transcript-rebuilt; emitter-appended) ---
"""Pipeline reference for scband-add-noise-21758304322340 (READ-ONLY COPY).

The authoritative reference and input builder live on the scoring server;
editing this copy changes nothing except your own understanding.
"""

import jax, jax.numpy as jnp
import numpy as np


def setup_inputs(seed: int = 0) -> dict:
    key = jax.random.key(seed)
    k1, k2, k3, k4, k5 = jax.random.split(key, 5)
    b, n = 64, 80000            # batch of 5-second 16kHz waveforms
    num_noise, max_len = 200, 120000  # noise bank: 200 clips padded to 7.5s @ 16kHz
    waveforms = jax.random.normal(k1, (b, n), dtype=jnp.float32) * 0.1
    lengths = jax.random.randint(k2, (b,), 1, n + 1).astype(jnp.int64)
    # learned/buffered noise table (self.noise_files in the torch module)
    noise_files = jax.random.normal(k3, (num_noise, max_len), dtype=jnp.float32) * 0.1
    # deterministic stand-ins for the module's runtime randomness
    random_index = jax.random.randint(k4, (b,), 0, num_noise).astype(jnp.int64)
    start_index = jax.random.randint(k5, (), 0, max_len - n).astype(jnp.int32)
    return {
        "waveforms": waveforms,
        "lengths": lengths,
        "noise_files": noise_files,
        "random_index": random_index,
        "start_index": start_index,
    }


def reference(waveforms, lengths, noise_files, random_index, start_index):
    b, n = waveforms.shape
    # embedding-style row gather: one noise clip per batch element
    noise_audios = jnp.take(noise_files, random_index, axis=0)
    # chop a random contiguous window of length n (same start for the whole batch)
    zero = jnp.zeros((), dtype=jnp.int32)
    noise_batch = jax.lax.dynamic_slice(noise_audios, (zero, start_index.astype(jnp.int32)), (b, n))
    # mix with fixed gain a (torch module draws a ~ U(0, 0.1); fixed at 0.05 for determinism)
    a = 0.05
    out = jnp.clip(a * noise_batch + waveforms, -1.0, 1.0)
    return out

if __name__ == "__main__":
    import jax
    _d = setup_inputs()
    print(jax.jit(kernel)(*tuple(_d.values())))

</pallas_src>

<mosaic_0001>
#map = affine_map<(d0, d1) -> (0, 0)>
#map1 = affine_map<(d0, d1) -> (0)>
module attributes {stable_mosaic.version = 14 : i64} {
  func.func @_sc_body(%arg0: i32, %arg1: i32, %arg2: memref<64x80000xf32, #tpu.memory_space<hbm>>, %arg3: memref<200x120000xf32, #tpu.memory_space<hbm>>, %arg4: memref<64xi32, #tpu.memory_space<hbm>>, %arg5: memref<1xi32, #tpu.memory_space<hbm>>, %arg6: memref<64x80000xf32, #tpu.memory_space<hbm>>, %arg7: memref<16xi32, #tpu.memory_space<vmem>>, %arg8: memref<16xi32, #tpu.memory_space<vmem>>, %arg9: memref<16xi32, #tpu.memory_space<vmem>>, %arg10: memref<80xi32, #tpu.memory_space<vmem>>, %arg11: memref<3x1x16128xf32, #tpu.memory_space<vmem>>, %arg12: memref<3x1x16000xf32, #tpu.memory_space<vmem>>, %arg13: memref<2x1x16000xf32, #tpu.memory_space<vmem>>, %arg14: memref<3x!tpu.dma_semaphore, #tpu.memory_space<semaphore_mem>>, %arg15: memref<3x!tpu.dma_semaphore, #tpu.memory_space<semaphore_mem>>, %arg16: memref<2x!tpu.dma_semaphore, #tpu.memory_space<semaphore_mem>>) attributes {dimension_semantics = [#tpu.dimension_semantics<core_parallel>, #tpu.dimension_semantics<subcore_parallel>], iteration_bounds = array<i64: 2, 16>, scalar_prefetch = 0 : i64, scratch_operands = 10 : i64, tpu.core_type = #tpu.core_type<sc_vector_subcore>, window_params = [{transform_indices = #map}, {transform_indices = #map}, {transform_indices = #map1}, {transform_indices = #map1}, {transform_indices = #map}]} {
    %mul3A = arith.constant 2 : i32
    %mul3A_0 = arith.muli %arg1, %mul3A : i32
    %add3A = arith.addi %mul3A_0, %arg0 : i32
    %iota3A = tpu.iota {dimensions = array<i32: 0>} : vector<16xi32>
    %broadcast_in_dim3A = arith.constant 0 : i32
    %broadcast_in_dim3A_1 = vector.broadcast %broadcast_in_dim3A : i32 to vector<16xi32>
    %swap3A = arith.constant 0 : index
    %swap3A_2 = tpu.vector_load %arg9[%swap3A] {strides = array<i32>} : memref<16xi32, #tpu.memory_space<vmem>>, vector<16xi32>,
    tpu.vector_store %arg9[%swap3A], %broadcast_in_dim3A_1 {strides = array<i32>} : memref<16xi32, #tpu.memory_space<vmem>>, vector<16xi32>,
    "tpu.region"() ({
      %run_scoped3A = tpu.sem_alloc : memref<!tpu.dma_semaphore, #tpu.memory_space<semaphore_mem>>
      %dma_start3A_163 = arith.constant 0 : i32
      %dma_start3A_164 = tpu.memref_slice %arg9[%dma_start3A_163] : memref<16xi32, #tpu.memory_space<vmem>> -> memref<1xi32, #tpu.memory_space<vmem>>
      %dma_start3A_165 = arith.constant 0 : i32
      %dma_start3A_166 = tpu.memref_slice %arg9[%dma_start3A_165] : memref<16xi32, #tpu.memory_space<vmem>> -> memref<1xi32, #tpu.memory_space<vmem>>
      tpu.enqueue_dma source(%arg5 : memref<1xi32, #tpu.memory_space<hbm>>) target(%dma_start3A_166 : memref<1xi32, #tpu.memory_space<vmem>>) target_semaphore(%run_scoped3A : memref<!tpu.dma_semaphore, #tpu.memory_space<semaphore_mem>>)
      %dma_wait3A_167 = arith.constant 0 : i32
      %dma_wait3A_168 = tpu.memref_slice %arg9[%dma_wait3A_167] : memref<16xi32, #tpu.memory_space<vmem>> -> memref<1xi32, #tpu.memory_space<vmem>>
      %dma_wait3A_169 = arith.constant 0 : i32
      %dma_wait3A_170 = tpu.memref_slice %arg9[%dma_wait3A_169] : memref<16xi32, #tpu.memory_space<vmem>> -> memref<1xi32, #tpu.memory_space<vmem>>
      tpu.wait_dma2 semaphore(%run_scoped3A : memref<!tpu.dma_semaphore, #tpu.memory_space<semaphore_mem>>) src(%arg5 : memref<1xi32, #tpu.memory_space<hbm>>) dst(%dma_wait3A_170 : memref<1xi32, #tpu.memory_space<vmem>>)
      tpu.yield
    }) : () -> ()
    "tpu.region"() ({
      %run_scoped3A = tpu.sem_alloc : memref<!tpu.dma_semaphore, #tpu.memory_space<semaphore_mem>>
      %dma_start3A_163 = arith.constant 0 : i32
      %dma_start3A_164 = tpu.memref_slice %arg10[%dma_start3A_163] : memref<80xi32, #tpu.memory_space<vmem>> -> memref<64xi32, #tpu.memory_space<vmem>>
      %dma_start3A_165 = arith.constant 0 : i32
      %dma_start3A_166 = tpu.memref_slice %arg10[%dma_start3A_165] : memref<80xi32, #tpu.memory_space<vmem>> -> memref<64xi32, #tpu.memory_space<vmem>>
      tpu.enqueue_dma source(%arg4 : memref<64xi32, #tpu.memory_space<hbm>>) target(%dma_start3A_166 : memref<64xi32, #tpu.memory_space<vmem>>) target_semaphore(%run_scoped3A : memref<!tpu.dma_semaphore, #tpu.memory_space<semaphore_mem>>)
      %dma_wait3A_167 = arith.constant 0 : i32
      %dma_wait3A_168 = tpu.memref_slice %arg10[%dma_wait3A_167] : memref<80xi32, #tpu.memory_space<vmem>> -> memref<64xi32, #tpu.memory_space<vmem>>
      %dma_wait3A_169 = arith.constant 0 : i32
      %dma_wait3A_170 = tpu.memref_slice %arg10[%dma_wait3A_169] : memref<80xi32, #tpu.memory_space<vmem>> -> memref<64xi32, #tpu.memory_space<vmem>>
      tpu.wait_dma2 semaphore(%run_scoped3A : memref<!tpu.dma_semaphore, #tpu.memory_space<semaphore_mem>>) src(%arg4 : memref<64xi32, #tpu.memory_space<hbm>>) dst(%dma_wait3A_170 : memref<64xi32, #tpu.memory_space<vmem>>)
      tpu.yield
    }) : () -> ()
    %mul3A_3 = arith.constant 2 : i32
    %mul3A_4 = arith.muli %mul3A_3, %add3A : i32
    %get3A = arith.index_cast %mul3A_4 : i32 to index
    %get3A_5 = tpu.vector_load %arg10[%get3A] {strides = array<i32>} : memref<80xi32, #tpu.memory_space<vmem>>, vector<16xi32>,
    %lt3A = arith.constant 8 : i32
    %lt3A_6 = vector.broadcast %lt3A : i32 to vector<16xi32>
    %lt3A_7 = arith.cmpi slt, %iota3A, %lt3A_6 : vector<16xi32>
    %jit3A = arith.constant 0 : i32
    %jit3A_8 = arith.constant 1 : i32
    %broadcast_in_dim3A_9 = vector.broadcast %jit3A : i32 to vector<16xi32>
    %broadcast_in_dim3A_10 = vector.broadcast %jit3A_8 : i32 to vector<16xi32>
    %select_n3A = arith.select %lt3A_7, %broadcast_in_dim3A_9, %broadcast_in_dim3A_10 : vector<16xi1>, vector<16xi32>
    %lt3A_11 = arith.constant 0 : i32
    %lt3A_12 = vector.broadcast %lt3A_11 : i32 to vector<16xi32>
    %lt3A_13 = arith.cmpi slt, %select_n3A, %lt3A_12 : vector<16xi32>
    %add3A_14 = arith.constant 16 : i32
    %add3A_15 = vector.broadcast %add3A_14 : i32 to vector<16xi32>
    %add3A_16 = arith.addi %select_n3A, %add3A_15 : vector<16xi32>
    %select_n3A_17 = arith.select %lt3A_13, %add3A_16, %select_n3A : vector<16xi1>, vector<16xi32>
    %reshape3A = vector.shape_cast %select_n3A_17 : vector<16xi32> to vector<16x1xi32>
    %gather3A = vector.shape_cast %reshape3A : vector<16x1xi32> to vector<16xi32>
    %gather3A_18 = tpu.dynamic_gather %get3A_5[%gather3A] in [0] : vector<16xi32>, vector<16xi32> -> vector<16xi32>
    %swap3A_19 = arith.constant 0 : index
    %swap3A_20 = tpu.vector_load %arg7[%swap3A_19] {strides = array<i32>} : memref<16xi32, #tpu.memory_space<vmem>>, vector<16xi32>,
    tpu.vector_store %arg7[%swap3A_19], %gather3A_18 {strides = array<i32>} : memref<16xi32, #tpu.memory_space<vmem>>, vector<16xi32>,
    %mul3A_21 = arith.constant 2 : i32
    %mul3A_22 = arith.muli %mul3A_21, %add3A : i32
    %lt3A_23 = arith.constant 8 : i32
    %lt3A_24 = vector.broadcast %lt3A_23 : i32 to vector<16xi32>
    %lt3A_25 = arith.cmpi slt, %iota3A, %lt3A_24 : vector<16xi32>
    %jit3A_26 = arith.constant 0 : i32
    %jit3A_27 = arith.constant 1 : i32
    %broadcast_in_dim3A_28 = vector.broadcast %jit3A_26 : i32 to vector<16xi32>
    %broadcast_in_dim3A_29 = vector.broadcast %jit3A_27 : i32 to vector<16xi32>
    %select_n3A_30 = arith.select %lt3A_25, %broadcast_in_dim3A_28, %broadcast_in_dim3A_29 : vector<16xi1>, vector<16xi32>
    %add3A_31 = vector.broadcast %mul3A_22 : i32 to vector<16xi32>
    %add3A_32 = arith.addi %add3A_31, %select_n3A_30 : vector<16xi32>
    %swap3A_33 = arith.constant 0 : index
    %swap3A_34 = tpu.vector_load %arg8[%swap3A_33] {strides = array<i32>} : memref<16xi32, #tpu.memory_space<vmem>>, vector<16xi32>,
    tpu.vector_store %arg8[%swap3A_33], %add3A_32 {strides = array<i32>} : memref<16xi32, #tpu.memory_space<vmem>>, vector<16xi32>,
    %get3A_35 = arith.constant 0 : index
    %get3A_36 = tpu.vector_load %arg9[%get3A_35] {strides = array<i32>} : memref<16xi32, #tpu.memory_space<vmem>>, vector<16xi32>,
    %reduce_max3A = arith.constant true
    %reduce_max3A_37 = vector.broadcast %reduce_max3A : i1 to vector<16xi1>
    %reduce_max3A_38 = arith.constant -2147483648 : i32
    %reduce_max3A_39 = vector.broadcast %reduce_max3A_38 : i32 to vector<16xi32>
    %reduce_max3A_40 = arith.xori %get3A_36, %reduce_max3A_39 : vector<16xi32>
    %reduce_max3A_41 = tpu.scan <max>, %reduce_max3A_40 masked %reduce_max3A_37 : vector<16xi32>, vector<16xi1> -> vector<16xi32>
    %reduce_max3A_42 = arith.xori %reduce_max3A_41, %reduce_max3A_39 : vector<16xi32>
    %reduce_max3A_43 = vector.extract %reduce_max3A_42[15] : i32 from vector<16xi32>
    %and3A = arith.constant -128 : i32
    %and3A_44 = arith.andi %reduce_max3A_43, %and3A : i32
    %multiple_of3A = tpu.assume_multiple %and3A_44, 128 : i32
    %and3A_45 = arith.constant 127 : i32
    %and3A_46 = arith.andi %reduce_max3A_43, %and3A_45 : i32
    %rem3A = arith.constant 0 : i32
    %rem3A_47 = arith.constant 3 : i32
    %rem3A_48 = arith.remsi %rem3A, %rem3A_47 : i32
    %div3A = arith.constant 0 : i32
    %div3A_49 = arith.constant 5 : i32
    %div3A_50 = arith.divsi %div3A, %div3A_49 : i32
    %rem3A_51 = arith.constant 0 : i32
    %rem3A_52 = arith.constant 5 : i32
    %rem3A_53 = arith.remsi %rem3A_51, %rem3A_52 : i32
    %mul3A_54 = arith.constant 8 : i32
    %mul3A_55 = arith.muli %mul3A_54, %div3A_50 : i32
    %mul3A_56 = arith.constant 16000 : i32
    %mul3A_57 = arith.muli %rem3A_53, %mul3A_56 : i32
    %add3A_58 = arith.addi %multiple_of3A, %mul3A_57 : i32
    %dma_start3A = arith.constant 0 : i32
    %dma_start3A_59 = arith.constant 0 : i32
    %dma_start3A_60 = tpu.memref_slice %arg11[%rem3A_48, %dma_start3A, %dma_start3A_59] : memref<3x1x16128xf32, #tpu.memory_space<vmem>> -> memref<1x1x16128xf32, #tpu.memory_space<vmem>>
    %dma_start3A_61 = tpu.memref_squeeze %dma_start3A_60 : memref<1x1x16128xf32, #tpu.memory_space<vmem>> -> memref<1x16128xf32, #tpu.memory_space<vmem>>
    %dma_start3A_62 = tpu.memref_slice %arg7[%mul3A_55] : memref<16xi32, #tpu.memory_space<vmem>> -> memref<1xi32, #tpu.memory_space<vmem>>
    %dma_start3A_63 = arith.constant 0 : i32
    %dma_start3A_64 = tpu.memref_slice %arg3[%dma_start3A_63, %add3A_58] : memref<200x120000xf32, #tpu.memory_space<hbm>> -> memref<200x16128xf32, #tpu.memory_space<hbm>>
    %dma_start3A_65 = tpu.memref_slice %arg14[%rem3A_48] : memref<3x!tpu.dma_semaphore, #tpu.memory_space<semaphore_mem>> -> memref<1x!tpu.dma_semaphore, #tpu.memory_space<semaphore_mem>>
    %dma_start3A_66 = tpu.memref_squeeze %dma_start3A_65 : memref<1x!tpu.dma_semaphore, #tpu.memory_space<semaphore_mem>> -> memref<!tpu.dma_semaphore, #tpu.memory_space<semaphore_mem>>
    tpu.enqueue_indirect_dma source(%dma_start3A_64 : memref<200x16128xf32, #tpu.memory_space<hbm>>) target(%dma_start3A_61 : memref<1x16128xf32, #tpu.memory_space<vmem>>) offsets(%dma_start3A_62 : memref<1xi32, #tpu.memory_space<vmem>>) semaphore(%dma_start3A_66 : memref<!tpu.dma_semaphore, #tpu.memory_space<semaphore_mem>>)
    %mul3A_67 = arith.constant 8 : i32
    %mul3A_68 = arith.muli %mul3A_67, %div3A_50 : i32
    %mul3A_69 = arith.constant 16000 : i32
    %mul3A_70 = arith.muli %rem3A_53, %mul3A_69 : i32
    %dma_start3A_71 = arith.constant 0 : i32
    %dma_start3A_72 = arith.constant 0 : i32
    %dma_start3A_73 = tpu.memref_slice %arg12[%rem3A_48, %dma_start3A_71, %dma_start3A_72] : memref<3x1x16000xf32, #tpu.memory_space<vmem>> -> memref<1x1x16000xf32, #tpu.memory_space<vmem>>
    %dma_start3A_74 = tpu.memref_squeeze %dma_start3A_73 : memref<1x1x16000xf32, #tpu.memory_space<vmem>> -> memref<1x16000xf32, #tpu.memory_space<vmem>>
    %dma_start3A_75 = tpu.memref_slice %arg8[%mul3A_68] : memref<16xi32, #tpu.memory_space<vmem>> -> memref<1xi32, #tpu.memory_space<vmem>>
    %dma_start3A_76 = arith.constant 0 : i32
    %dma_start3A_77 = tpu.memref_slice %arg2[%dma_start3A_76, %mul3A_70] : memref<64x80000xf32, #tpu.memory_space<hbm>> -> memref<64x16000xf32, #tpu.memory_space<hbm>>
    %dma_start3A_78 = tpu.memref_slice %arg15[%rem3A_48] : memref<3x!tpu.dma_semaphore, #tpu.memory_space<semaphore_mem>> -> memref<1x!tpu.dma_semaphore, #tpu.memory_space<semaphore_mem>>
    %dma_start3A_79 = tpu.memref_squeeze %dma_start3A_78 : memref<1x!tpu.dma_semaphore, #tpu.memory_space<semaphore_mem>> -> memref<!tpu.dma_semaphore, #tpu.memory_space<semaphore_mem>>
    tpu.enqueue_indirect_dma source(%dma_start3A_77 : memref<64x16000xf32, #tpu.memory_space<hbm>>) target(%dma_start3A_74 : memref<1x16000xf32, #tpu.memory_space<vmem>>) offsets(%dma_start3A_75 : memref<1xi32, #tpu.memory_space<vmem>>) semaphore(%dma_start3A_79 : memref<!tpu.dma_semaphore, #tpu.memory_space<semaphore_mem>>)
    %rem3A_80 = arith.constant 1 : i32
    %rem3A_81 = arith.constant 3 : i32
    %rem3A_82 = arith.remsi %rem3A_80, %rem3A_81 : i32
    %div3A_83 = arith.constant 1 : i32
    %div3A_84 = arith.constant 5 : i32
    %div3A_85 = arith.divsi %div3A_83, %div3A_84 : i32
    %rem3A_86 = arith.constant 1 : i32
    %rem3A_87 = arith.constant 5 : i32
    %rem3A_88 = arith.remsi %rem3A_86, %rem3A_87 : i32
    %mul3A_89 = arith.constant 8 : i32
    %mul3A_90 = arith.muli %mul3A_89, %div3A_85 : i32
    %mul3A_91 = arith.constant 16000 : i32
    %mul3A_92 = arith.muli %rem3A_88, %mul3A_91 : i32
    %add3A_93 = arith.addi %multiple_of3A, %mul3A_92 : i32
    %dma_start3A_94 = arith.constant 0 : i32
    %dma_start3A_95 = arith.constant 0 : i32
    %dma_start3A_96 = tpu.memref_slice %arg11[%rem3A_82, %dma_start3A_94, %dma_start3A_95] : memref<3x1x16128xf32, #tpu.memory_space<vmem>> -> memref<1x1x16128xf32, #tpu.memory_space<vmem>>
    %dma_start3A_97 = tpu.memref_squeeze %dma_start3A_96 : memref<1x1x16128xf32, #tpu.memory_space<vmem>> -> memref<1x16128xf32, #tpu.memory_space<vmem>>
    %dma_start3A_98 = tpu.memref_slice %arg7[%mul3A_90] : memref<16xi32, #tpu.memory_space<vmem>> -> memref<1xi32, #tpu.memory_space<vmem>>
    %dma_start3A_99 = arith.constant 0 : i32
    %dma_start3A_100 = tpu.memref_slice %arg3[%dma_start3A_99, %add3A_93] : memref<200x120000xf32, #tpu.memory_space<hbm>> -> memref<200x16128xf32, #tpu.memory_space<hbm>>
    %dma_start3A_101 = tpu.memref_slice %arg14[%rem3A_82] : memref<3x!tpu.dma_semaphore, #tpu.memory_space<semaphore_mem>> -> memref<1x!tpu.dma_semaphore, #tpu.memory_space<semaphore_mem>>
    %dma_start3A_102 = tpu.memref_squeeze %dma_start3A_101 : memref<1x!tpu.dma_semaphore, #tpu.memory_space<semaphore_mem>> -> memref<!tpu.dma_semaphore, #tpu.memory_space<semaphore_mem>>
    tpu.enqueue_indirect_dma source(%dma_start3A_100 : memref<200x16128xf32, #tpu.memory_space<hbm>>) target(%dma_start3A_97 : memref<1x16128xf32, #tpu.memory_space<vmem>>) offsets(%dma_start3A_98 : memref<1xi32, #tpu.memory_space<vmem>>) semaphore(%dma_start3A_102 : memref<!tpu.dma_semaphore, #tpu.memory_space<semaphore_mem>>)
    %mul3A_103 = arith.constant 8 : i32
    %mul3A_104 = arith.muli %mul3A_103, %div3A_85 : i32
    %mul3A_105 = arith.constant 16000 : i32
    %mul3A_106 = arith.muli %rem3A_88, %mul3A_105 : i32
    %dma_start3A_107 = arith.constant 0 : i32
    %dma_start3A_108 = arith.constant 0 : i32
    %dma_start3A_109 = tpu.memref_slice %arg12[%rem3A_82, %dma_start3A_107, %dma_start3A_108] : memref<3x1x16000xf32, #tpu.memory_space<vmem>> -> memref<1x1x16000xf32, #tpu.memory_space<vmem>>
    %dma_start3A_110 = tpu.memref_squeeze %dma_start3A_109 : memref<1x1x16000xf32, #tpu.memory_space<vmem>> -> memref<1x16000xf32, #tpu.memory_space<vmem>>
    %dma_start3A_111 = tpu.memref_slice %arg8[%mul3A_104] : memref<16xi32, #tpu.memory_space<vmem>> -> memref<1xi32, #tpu.memory_space<vmem>>
    %dma_start3A_112 = arith.constant 0 : i32
    %dma_start3A_113 = tpu.memref_slice %arg2[%dma_start3A_112, %mul3A_106] : memref<64x80000xf32, #tpu.memory_space<hbm>> -> memref<64x16000xf32, #tpu.memory_space<hbm>>
    %dma_start3A_114 = tpu.memref_slice %arg15[%rem3A_82] : memref<3x!tpu.dma_semaphore, #tpu.memory_space<semaphore_mem>> -> memref<1x!tpu.dma_semaphore, #tpu.memory_space<semaphore_mem>>
    %dma_start3A_115 = tpu.memref_squeeze %dma_start3A_114 : memref<1x!tpu.dma_semaphore, #tpu.memory_space<semaphore_mem>> -> memref<!tpu.dma_semaphore, #tpu.memory_space<semaphore_mem>>
    tpu.enqueue_indirect_dma source(%dma_start3A_113 : memref<64x16000xf32, #tpu.memory_space<hbm>>) target(%dma_start3A_110 : memref<1x16000xf32, #tpu.memory_space<vmem>>) offsets(%dma_start3A_111 : memref<1xi32, #tpu.memory_space<vmem>>) semaphore(%dma_start3A_115 : memref<!tpu.dma_semaphore, #tpu.memory_space<semaphore_mem>>)
    %scan3A = arith.constant 0 : i32
    %scan3A_116 = arith.constant 10 : i32
    %scan3A_117 = arith.addi %scan3A, %scan3A_116 : i32
    %scan3A_118 = arith.constant 1 : i32
    scf.for %scan3A_163 = %scan3A to %scan3A_117 step %scan3A_118  : i32 {
      %rem3A_164 = arith.constant 3 : i32
      %rem3A_165 = arith.remsi %scan3A_163, %rem3A_164 : i32
      %rem3A_166 = arith.constant 2 : i32
      %rem3A_167 = arith.remsi %scan3A_163, %rem3A_166 : i32
      %add3A_168 = arith.constant 2 : i32
      %add3A_169 = arith.addi %scan3A_163, %add3A_168 : i32
      %lt3A_170 = arith.constant 10 : i32
      %lt3A_171 = arith.cmpi slt, %add3A_169, %lt3A_170 : i32
      %convert_element_type3A = arith.extui %lt3A_171 : i1 to i32
      %cond3A = arith.constant 0 : i32
      %cond3A_172 = arith.cmpi ne, %convert_element_type3A, %cond3A : i32
      scf.if %cond3A_172 {
        %add3A_231 = arith.constant 2 : i32
        %add3A_232 = arith.addi %scan3A_163, %add3A_231 : i32
        %rem3A_233 = arith.constant 3 : i32
        %rem3A_234 = arith.remsi %add3A_232, %rem3A_233 : i32
        %div3A_235 = arith.constant 5 : i32
        %div3A_236 = arith.divsi %add3A_232, %div3A_235 : i32
        %rem3A_237 = arith.constant 5 : i32
        %rem3A_238 = arith.remsi %add3A_232, %rem3A_237 : i32
        %mul3A_239 = arith.constant 8 : i32
        %mul3A_240 = arith.muli %mul3A_239, %div3A_236 : i32
        %mul3A_241 = arith.constant 16000 : i32
        %mul3A_242 = arith.muli %rem3A_238, %mul3A_241 : i32
        %add3A_243 = arith.addi %multiple_of3A, %mul3A_242 : i32
        %dma_start3A_244 = arith.constant 0 : i32
        %dma_start3A_245 = arith.constant 0 : i32
        %dma_start3A_246 = tpu.memref_slice %arg11[%rem3A_234, %dma_start3A_244, %dma_start3A_245] : memref<3x1x16128xf32, #tpu.memory_space<vmem>> -> memref<1x1x16128xf32, #tpu.memory_space<vmem>>
        %dma_start3A_247 = tpu.memref_squeeze %dma_start3A_246 : memref<1x1x16128xf32, #tpu.memory_space<vmem>> -> memref<1x16128xf32, #tpu.memory_space<vmem>>
        %dma_start3A_248 = tpu.memref_slice %arg7[%mul3A_240] : memref<16xi32, #tpu.memory_space<vmem>> -> memref<1xi32, #tpu.memory_space<vmem>>
        %dma_start3A_249 = arith.constant 0 : i32
        %dma_start3A_250 = tpu.memref_slice %arg3[%dma_start3A_249, %add3A_243] : memref<200x120000xf32, #tpu.memory_space<hbm>> -> memref<200x16128xf32, #tpu.memory_space<hbm>>
        %dma_start3A_251 = tpu.memref_slice %arg14[%rem3A_234] : memref<3x!tpu.dma_semaphore, #tpu.memory_space<semaphore_mem>> -> memref<1x!tpu.dma_semaphore, #tpu.memory_space<semaphore_mem>>
        %dma_start3A_252 = tpu.memref_squeeze %dma_start3A_251 : memref<1x!tpu.dma_semaphore, #tpu.memory_space<semaphore_mem>> -> memref<!tpu.dma_semaphore, #tpu.memory_space<semaphore_mem>>
        tpu.enqueue_indirect_dma source(%dma_start3A_250 : memref<200x16128xf32, #tpu.memory_space<hbm>>) target(%dma_start3A_247 : memref<1x16128xf32, #tpu.memory_space<vmem>>) offsets(%dma_start3A_248 : memref<1xi32, #tpu.memory_space<vmem>>) semaphore(%dma_start3A_252 : memref<!tpu.dma_semaphore, #tpu.memory_space<semaphore_mem>>)
        %mul3A_253 = arith.constant 8 : i32
        %mul3A_254 = arith.muli %mul3A_253, %div3A_236 : i32
        %mul3A_255 = arith.constant 16000 : i32
        %mul3A_256 = arith.muli %rem3A_238, %mul3A_255 : i32
        %dma_start3A_257 = arith.constant 0 : i32
        %dma_start3A_258 = arith.constant 0 : i32
        %dma_start3A_259 = tpu.memref_slice %arg12[%rem3A_234, %dma_start3A_257, %dma_start3A_258] : memref<3x1x16000xf32, #tpu.memory_space<vmem>> -> memref<1x1x16000xf32, #tpu.memory_space<vmem>>
        %dma_start3A_260 = tpu.memref_squeeze %dma_start3A_259 : memref<1x1x16000xf32, #tpu.memory_space<vmem>> -> memref<1x16000xf32, #tpu.memory_space<vmem>>
        %dma_start3A_261 = tpu.memref_slice %arg8[%mul3A_254] : memref<16xi32, #tpu.memory_space<vmem>> -> memref<1xi32, #tpu.memory_space<vmem>>
        %dma_start3A_262 = arith.constant 0 : i32
        %dma_start3A_263 = tpu.memref_slice %arg2[%dma_start3A_262, %mul3A_256] : memref<64x80000xf32, #tpu.memory_space<hbm>> -> memref<64x16000xf32, #tpu.memory_space<hbm>>
        %dma_start3A_264 = tpu.memref_slice %arg15[%rem3A_234] : memref<3x!tpu.dma_semaphore, #tpu.memory_space<semaphore_mem>> -> memref<1x!tpu.dma_semaphore, #tpu.memory_space<semaphore_mem>>
        %dma_start3A_265 = tpu.memref_squeeze %dma_start3A_264 : memref<1x!tpu.dma_semaphore, #tpu.memory_space<semaphore_mem>> -> memref<!tpu.dma_semaphore, #tpu.memory_space<semaphore_mem>>
        tpu.enqueue_indirect_dma source(%dma_start3A_263 : memref<64x16000xf32, #tpu.memory_space<hbm>>) target(%dma_start3A_260 : memref<1x16000xf32, #tpu.memory_space<vmem>>) offsets(%dma_start3A_261 : memref<1xi32, #tpu.memory_space<vmem>>) semaphore(%dma_start3A_265 : memref<!tpu.dma_semaphore, #tpu.memory_space<semaphore_mem>>)
      } else {
      }
      %rem3A_173 = arith.constant 3 : i32
      %rem3A_174 = arith.remsi %scan3A_163, %rem3A_173 : i32
      %div3A_175 = arith.constant 5 : i32
      %div3A_176 = arith.divsi %scan3A_163, %div3A_175 : i32
      %rem3A_177 = arith.constant 5 : i32
      %rem3A_178 = arith.remsi %scan3A_163, %rem3A_177 : i32
      %mul3A_179 = arith.constant 8 : i32
      %mul3A_180 = arith.muli %mul3A_179, %div3A_176 : i32
      %mul3A_181 = arith.constant 16000 : i32
      %mul3A_182 = arith.muli %rem3A_178, %mul3A_181 : i32
      %add3A_183 = arith.addi %multiple_of3A, %mul3A_182 : i32
      %dma_wait3A_184 = arith.constant 0 : i32
      %dma_wait3A_185 = arith.constant 0 : i32
      %dma_wait3A_186 = tpu.memref_slice %arg11[%rem3A_174, %dma_wait3A_184, %dma_wait3A_185] : memref<3x1x16128xf32, #tpu.memory_space<vmem>> -> memref<1x1x16128xf32, #tpu.memory_space<vmem>>
      %dma_wait3A_187 = tpu.memref_squeeze %dma_wait3A_186 : memref<1x1x16128xf32, #tpu.memory_space<vmem>> -> memref<1x16128xf32, #tpu.memory_space<vmem>>
      %dma_wait3A_188 = tpu.memref_slice %arg7[%mul3A_180] : memref<16xi32, #tpu.memory_space<vmem>> -> memref<1xi32, #tpu.memory_space<vmem>>
      %dma_wait3A_189 = arith.constant 0 : i32
      %dma_wait3A_190 = tpu.memref_slice %arg3[%dma_wait3A_189, %add3A_183] : memref<200x120000xf32, #tpu.memory_space<hbm>> -> memref<200x16128xf32, #tpu.memory_space<hbm>>
      %dma_wait3A_191 = tpu.memref_slice %arg14[%rem3A_174] : memref<3x!tpu.dma_semaphore, #tpu.memory_space<semaphore_mem>> -> memref<1x!tpu.dma_semaphore, #tpu.memory_space<semaphore_mem>>
      %dma_wait3A_192 = tpu.memref_squeeze %dma_wait3A_191 : memref<1x!tpu.dma_semaphore, #tpu.memory_space<semaphore_mem>> -> memref<!tpu.dma_semaphore, #tpu.memory_space<semaphore_mem>>
      tpu.wait_indirect_dma semaphore(%dma_wait3A_192 : memref<!tpu.dma_semaphore, #tpu.memory_space<semaphore_mem>>) src(%dma_wait3A_190 : memref<200x16128xf32, #tpu.memory_space<hbm>>) dst(%dma_wait3A_187 : memref<1x16128xf32, #tpu.memory_space<vmem>>)
      %mul3A_193 = arith.constant 8 : i32
      %mul3A_194 = arith.muli %mul3A_193, %div3A_176 : i32
      %mul3A_195 = arith.constant 16000 : i32
      %mul3A_196 = arith.muli %rem3A_178, %mul3A_195 : i32
      %dma_wait3A_197 = arith.constant 0 : i32
      %dma_wait3A_198 = arith.constant 0 : i32
      %dma_wait3A_199 = tpu.memref_slice %arg12[%rem3A_174, %dma_wait3A_197, %dma_wait3A_198] : memref<3x1x16000xf32, #tpu.memory_space<vmem>> -> memref<1x1x16000xf32, #tpu.memory_space<vmem>>
      %dma_wait3A_200 = tpu.memref_squeeze %dma_wait3A_199 : memref<1x1x16000xf32, #tpu.memory_space<vmem>> -> memref<1x16000xf32, #tpu.memory_space<vmem>>
      %dma_wait3A_201 = tpu.memref_slice %arg8[%mul3A_194] : memref<16xi32, #tpu.memory_space<vmem>> -> memref<1xi32, #tpu.memory_space<vmem>>
      %dma_wait3A_202 = arith.constant 0 : i32
      %dma_wait3A_203 = tpu.memref_slice %arg2[%dma_wait3A_202, %mul3A_196] : memref<64x80000xf32, #tpu.memory_space<hbm>> -> memref<64x16000xf32, #tpu.memory_space<hbm>>
      %dma_wait3A_204 = tpu.memref_slice %arg15[%rem3A_174] : memref<3x!tpu.dma_semaphore, #tpu.memory_space<semaphore_mem>> -> memref<1x!tpu.dma_semaphore, #tpu.memory_space<semaphore_mem>>
      %dma_wait3A_205 = tpu.memref_squeeze %dma_wait3A_204 : memref<1x!tpu.dma_semaphore, #tpu.memory_space<semaphore_mem>> -> memref<!tpu.dma_semaphore, #tpu.memory_space<semaphore_mem>>
      tpu.wait_indirect_dma semaphore(%dma_wait3A_205 : memref<!tpu.dma_semaphore, #tpu.memory_space<semaphore_mem>>) src(%dma_wait3A_203 : memref<64x16000xf32, #tpu.memory_space<hbm>>) dst(%dma_wait3A_200 : memref<1x16000xf32, #tpu.memory_space<vmem>>)
      %ge3A = arith.constant 2 : i32
      %ge3A_206 = arith.cmpi sge, %scan3A_163, %ge3A : i32
      %convert_element_type3A_207 = arith.extui %ge3A_206 : i1 to i32
      %cond3A_208 = arith.constant 0 : i32
      %cond3A_209 = arith.cmpi ne, %convert_element_type3A_207, %cond3A_208 : i32
      scf.if %cond3A_209 {
        %sub3A = arith.constant 2 : i32
        %sub3A_231 = arith.subi %scan3A_163, %sub3A : i32
        %rem3A_232 = arith.constant 2 : i32
        %rem3A_233 = arith.remsi %sub3A_231, %rem3A_232 : i32
        %div3A_234 = arith.constant 5 : i32
        %div3A_235 = arith.divsi %sub3A_231, %div3A_234 : i32
        %rem3A_236 = arith.constant 5 : i32
        %rem3A_237 = arith.remsi %sub3A_231, %rem3A_236 : i32
        %mul3A_238 = arith.constant 8 : i32
        %mul3A_239 = arith.muli %mul3A_238, %div3A_235 : i32
        %mul3A_240 = arith.constant 16000 : i32
        %mul3A_241 = arith.muli %rem3A_237, %mul3A_240 : i32
        %dma_wait3A_242 = arith.constant 0 : i32
        %dma_wait3A_243 = arith.constant 0 : i32
        %dma_wait3A_244 = tpu.memref_slice %arg13[%rem3A_233, %dma_wait3A_242, %dma_wait3A_243] : memref<2x1x16000xf32, #tpu.memory_space<vmem>> -> memref<1x1x16000xf32, #tpu.memory_space<vmem>>
        %dma_wait3A_245 = tpu.memref_squeeze %dma_wait3A_244 : memref<1x1x16000xf32, #tpu.memory_space<vmem>> -> memref<1x16000xf32, #tpu.memory_space<vmem>>
        %dma_wait3A_246 = tpu.memref_slice %arg8[%mul3A_239] : memref<16xi32, #tpu.memory_space<vmem>> -> memref<1xi32, #tpu.memory_space<vmem>>
        %dma_wait3A_247 = arith.constant 0 : i32
        %dma_wait3A_248 = tpu.memref_slice %arg6[%dma_wait3A_247, %mul3A_241] : memref<64x80000xf32, #tpu.memory_space<hbm>> -> memref<64x16000xf32, #tpu.memory_space<hbm>>
        %dma_wait3A_249 = tpu.memref_slice %arg16[%rem3A_233] : memref<2x!tpu.dma_semaphore, #tpu.memory_space<semaphore_mem>> -> memref<1x!tpu.dma_semaphore, #tpu.memory_space<semaphore_mem>>
        %dma_wait3A_250 = tpu.memref_squeeze %dma_wait3A_249 : memref<1x!tpu.dma_semaphore, #tpu.memory_space<semaphore_mem>> -> memref<!tpu.dma_semaphore, #tpu.memory_space<semaphore_mem>>
        tpu.wait_indirect_dma semaphore(%dma_wait3A_250 : memref<!tpu.dma_semaphore, #tpu.memory_space<semaphore_mem>>) src(%dma_wait3A_245 : memref<1x16000xf32, #tpu.memory_space<vmem>>) dst(%dma_wait3A_248 : memref<64x16000xf32, #tpu.memory_space<hbm>>)
      } else {
      }
      %parallel_loop3A = arith.constant 0 : i32
      %parallel_loop3A_210 = arith.constant 1000 : i32
      %parallel_loop3A_211 = arith.constant 1 : i32
      scf.for %parallel_loop3A_231 = %parallel_loop3A to %parallel_loop3A_210 step %parallel_loop3A_211  : i32 {
        %parallel_loop3A_232 = arith.constant 16 : i32
        %parallel_loop3A_233 = arith.muli %parallel_loop3A_231, %parallel_loop3A_232 : i32
        %parallel_loop3A_234 = arith.addi %and3A_46, %parallel_loop3A_233 : i32
        %parallel_loop3A_235 = arith.constant 0 : i32
        %parallel_loop3A_236 = arith.index_cast %rem3A_165 : i32 to index
        %parallel_loop3A_237 = arith.index_cast %parallel_loop3A_235 : i32 to index
        %parallel_loop3A_238 = arith.index_cast %parallel_loop3A_234 : i32 to index
        %parallel_loop3A_239 = tpu.vector_load %arg11[%parallel_loop3A_236, %parallel_loop3A_237, %parallel_loop3A_238] {strides = array<i32>} : memref<3x1x16128xf32, #tpu.memory_space<vmem>>, vector<16xf32>,
        %parallel_loop3A_240 = arith.constant 16 : i32
        %parallel_loop3A_241 = arith.muli %parallel_loop3A_231, %parallel_loop3A_240 : i32
        %parallel_loop3A_242 = arith.constant 0 : i32
        %parallel_loop3A_243 = arith.index_cast %rem3A_165 : i32 to index
        %parallel_loop3A_244 = arith.index_cast %parallel_loop3A_242 : i32 to index
        %parallel_loop3A_245 = arith.index_cast %parallel_loop3A_241 : i32 to index
        %parallel_loop3A_246 = tpu.vector_load %arg12[%parallel_loop3A_243, %parallel_loop3A_244, %parallel_loop3A_245] {strides = array<i32>} : memref<3x1x16000xf32, #tpu.memory_space<vmem>>, vector<16xf32>,
        %parallel_loop3A_247 = arith.constant 5.000000e-02 : f32
        %parallel_loop3A_248 = vector.broadcast %parallel_loop3A_247 : f32 to vector<16xf32>
        %parallel_loop3A_249 = arith.mulf %parallel_loop3A_248, %parallel_loop3A_239 : vector<16xf32>
        %parallel_loop3A_250 = arith.addf %parallel_loop3A_249, %parallel_loop3A_246 : vector<16xf32>
        %parallel_loop3A_251 = arith.constant -1.000000e+00 : f32
        %parallel_loop3A_252 = vector.broadcast %parallel_loop3A_251 : f32 to vector<16xf32>
        %parallel_loop3A_253 = arith.maximumf %parallel_loop3A_250, %parallel_loop3A_252 : vector<16xf32>
        %parallel_loop3A_254 = arith.constant 1.000000e+00 : f32
        %parallel_loop3A_255 = vector.broadcast %parallel_loop3A_254 : f32 to vector<16xf32>
        %parallel_loop3A_256 = arith.minimumf %parallel_loop3A_253, %parallel_loop3A_255 : vector<16xf32>
        %parallel_loop3A_257 = arith.constant 16 : i32
        %parallel_loop3A_258 = arith.muli %parallel_loop3A_231, %parallel_loop3A_257 : i32
        %parallel_loop3A_259 = arith.constant 0 : i32
        %parallel_loop3A_260 = arith.index_cast %rem3A_167 : i32 to index
        %parallel_loop3A_261 = arith.index_cast %parallel_loop3A_259 : i32 to index
        %parallel_loop3A_262 = arith.index_cast %parallel_loop3A_258 : i32 to index
        %parallel_loop3A_263 = tpu.vector_load %arg13[%parallel_loop3A_260, %parallel_loop3A_261, %parallel_loop3A_262] {strides = array<i32>} : memref<2x1x16000xf32, #tpu.memory_space<vmem>>, vector<16xf32>,
        tpu.vector_store %arg13[%parallel_loop3A_260, %parallel_loop3A_261, %parallel_loop3A_262], %parallel_loop3A_256 {strides = array<i32>} : memref<2x1x16000xf32, #tpu.memory_space<vmem>>, vector<16xf32>,
      } {sc.loop_unroll_factor = 16 : i64, sc.parallel_access}
      %rem3A_212 = arith.constant 2 : i32
      %rem3A_213 = arith.remsi %scan3A_163, %rem3A_212 : i32
      %div3A_214 = arith.constant 5 : i32
      %div3A_215 = arith.divsi %scan3A_163, %div3A_214 : i32
      %rem3A_216 = arith.constant 5 : i32
      %rem3A_217 = arith.remsi %scan3A_163, %rem3A_216 : i32
      %mul3A_218 = arith.constant 8 : i32
      %mul3A_219 = arith.muli %mul3A_218, %div3A_215 : i32
      %mul3A_220 = arith.constant 16000 : i32
      %mul3A_221 = arith.muli %rem3A_217, %mul3A_220 : i32
      %dma_start3A_222 = arith.constant 0 : i32
      %dma_start3A_223 = arith.constant 0 : i32
      %dma_start3A_224 = tpu.memref_slice %arg13[%rem3A_213, %dma_start3A_222, %dma_start3A_223] : memref<2x1x16000xf32, #tpu.memory_space<vmem>> -> memref<1x1x16000xf32, #tpu.memory_space<vmem>>
      %dma_start3A_225 = tpu.memref_squeeze %dma_start3A_224 : memref<1x1x16000xf32, #tpu.memory_space<vmem>> -> memref<1x16000xf32, #tpu.memory_space<vmem>>
      %dma_start3A_226 = tpu.memref_slice %arg8[%mul3A_219] : memref<16xi32, #tpu.memory_space<vmem>> -> memref<1xi32, #tpu.memory_space<vmem>>
      %dma_start3A_227 = arith.constant 0 : i32
      %dma_start3A_228 = tpu.memref_slice %arg6[%dma_start3A_227, %mul3A_221] : memref<64x80000xf32, #tpu.memory_space<hbm>> -> memref<64x16000xf32, #tpu.memory_space<hbm>>
      %dma_start3A_229 = tpu.memref_slice %arg16[%rem3A_213] : memref<2x!tpu.dma_semaphore, #tpu.memory_space<semaphore_mem>> -> memref<1x!tpu.dma_semaphore, #tpu.memory_space<semaphore_mem>>
      %dma_start3A_230 = tpu.memref_squeeze %dma_start3A_229 : memref<1x!tpu.dma_semaphore, #tpu.memory_space<semaphore_mem>> -> memref<!tpu.dma_semaphore, #tpu.memory_space<semaphore_mem>>
      tpu.enqueue_indirect_dma source(%dma_start3A_225 : memref<1x16000xf32, #tpu.memory_space<vmem>>) target(%dma_start3A_228 : memref<64x16000xf32, #tpu.memory_space<hbm>>) offsets(%dma_start3A_226 : memref<1xi32, #tpu.memory_space<vmem>>) semaphore(%dma_start3A_230 : memref<!tpu.dma_semaphore, #tpu.memory_space<semaphore_mem>>)
    }
    %scan3A_119 = arith.constant 10 : i32
    %rem3A_120 = arith.constant 8 : i32
    %rem3A_121 = arith.constant 2 : i32
    %rem3A_122 = arith.remsi %rem3A_120, %rem3A_121 : i32
    %div3A_123 = arith.constant 8 : i32
    %div3A_124 = arith.constant 5 : i32
    %div3A_125 = arith.divsi %div3A_123, %div3A_124 : i32
    %rem3A_126 = arith.constant 8 : i32
    %rem3A_127 = arith.constant 5 : i32
    %rem3A_128 = arith.remsi %rem3A_126, %rem3A_127 : i32
    %mul3A_129 = arith.constant 8 : i32
    %mul3A_130 = arith.muli %mul3A_129, %div3A_125 : i32
    %mul3A_131 = arith.constant 16000 : i32
    %mul3A_132 = arith.muli %rem3A_128, %mul3A_131 : i32
    %dma_wait3A = arith.constant 0 : i32
    %dma_wait3A_133 = arith.constant 0 : i32
    %dma_wait3A_134 = tpu.memref_slice %arg13[%rem3A_122, %dma_wait3A, %dma_wait3A_133] : memref<2x1x16000xf32, #tpu.memory_space<vmem>> -> memref<1x1x16000xf32, #tpu.memory_space<vmem>>
    %dma_wait3A_135 = tpu.memref_squeeze %dma_wait3A_134 : memref<1x1x16000xf32, #tpu.memory_space<vmem>> -> memref<1x16000xf32, #tpu.memory_space<vmem>>
    %dma_wait3A_136 = tpu.memref_slice %arg8[%mul3A_130] : memref<16xi32, #tpu.memory_space<vmem>> -> memref<1xi32, #tpu.memory_space<vmem>>
    %dma_wait3A_137 = arith.constant 0 : i32
    %dma_wait3A_138 = tpu.memref_slice %arg6[%dma_wait3A_137, %mul3A_132] : memref<64x80000xf32, #tpu.memory_space<hbm>> -> memref<64x16000xf32, #tpu.memory_space<hbm>>
    %dma_wait3A_139 = tpu.memref_slice %arg16[%rem3A_122] : memref<2x!tpu.dma_semaphore, #tpu.memory_space<semaphore_mem>> -> memref<1x!tpu.dma_semaphore, #tpu.memory_space<semaphore_mem>>
    %dma_wait3A_140 = tpu.memref_squeeze %dma_wait3A_139 : memref<1x!tpu.dma_semaphore, #tpu.memory_space<semaphore_mem>> -> memref<!tpu.dma_semaphore, #tpu.memory_space<semaphore_mem>>
    tpu.wait_indirect_dma semaphore(%dma_wait3A_140 : memref<!tpu.dma_semaphore, #tpu.memory_space<semaphore_mem>>) src(%dma_wait3A_135 : memref<1x16000xf32, #tpu.memory_space<vmem>>) dst(%dma_wait3A_138 : memref<64x16000xf32, #tpu.memory_space<hbm>>)
    %rem3A_141 = arith.constant 9 : i32
    %rem3A_142 = arith.constant 2 : i32
    %rem3A_143 = arith.remsi %rem3A_141, %rem3A_142 : i32
    %div3A_144 = arith.constant 9 : i32
    %div3A_145 = arith.constant 5 : i32
    %div3A_146 = arith.divsi %div3A_144, %div3A_145 : i32
    %rem3A_147 = arith.constant 9 : i32
    %rem3A_148 = arith.constant 5 : i32
    %rem3A_149 = arith.remsi %rem3A_147, %rem3A_148 : i32
    %mul3A_150 = arith.constant 8 : i32
    %mul3A_151 = arith.muli %mul3A_150, %div3A_146 : i32
    %mul3A_152 = arith.constant 16000 : i32
    %mul3A_153 = arith.muli %rem3A_149, %mul3A_152 : i32
    %dma_wait3A_154 = arith.constant 0 : i32
    %dma_wait3A_155 = arith.constant 0 : i32
    %dma_wait3A_156 = tpu.memref_slice %arg13[%rem3A_143, %dma_wait3A_154, %dma_wait3A_155] : memref<2x1x16000xf32, #tpu.memory_space<vmem>> -> memref<1x1x16000xf32, #tpu.memory_space<vmem>>
    %dma_wait3A_157 = tpu.memref_squeeze %dma_wait3A_156 : memref<1x1x16000xf32, #tpu.memory_space<vmem>> -> memref<1x16000xf32, #tpu.memory_space<vmem>>
    %dma_wait3A_158 = tpu.memref_slice %arg8[%mul3A_151] : memref<16xi32, #tpu.memory_space<vmem>> -> memref<1xi32, #tpu.memory_space<vmem>>
    %dma_wait3A_159 = arith.constant 0 : i32
    %dma_wait3A_160 = tpu.memref_slice %arg6[%dma_wait3A_159, %mul3A_153] : memref<64x80000xf32, #tpu.memory_space<hbm>> -> memref<64x16000xf32, #tpu.memory_space<hbm>>
    %dma_wait3A_161 = tpu.memref_slice %arg16[%rem3A_143] : memref<2x!tpu.dma_semaphore, #tpu.memory_space<semaphore_mem>> -> memref<1x!tpu.dma_semaphore, #tpu.memory_space<semaphore_mem>>
    %dma_wait3A_162 = tpu.memref_squeeze %dma_wait3A_161 : memref<1x!tpu.dma_semaphore, #tpu.memory_space<semaphore_mem>> -> memref<!tpu.dma_semaphore, #tpu.memory_space<semaphore_mem>>
    tpu.wait_indirect_dma semaphore(%dma_wait3A_162 : memref<!tpu.dma_semaphore, #tpu.memory_space<semaphore_mem>>) src(%dma_wait3A_157 : memref<1x16000xf32, #tpu.memory_space<vmem>>) dst(%dma_wait3A_160 : memref<64x16000xf32, #tpu.memory_space<hbm>>)
    return
  }
}

</mosaic_0001>

<sc_bundles>
// kernel: _add_noise_sc.3.cloned.1.call-start
scs
__scs_entry_jumppad:
0x0: {  	(pc) =	sbr.rel $0x88, $3  }
0x1: {  	(tag) =	ssettag $0x0;
	lr =	simm.s32 $0x1  }
0x2: {  	[smem:$0x3F9D] =	sst lr;
	_ =	strace $0xD0000000  }
0x3: {  	_ = 	snop  }
0x4: {  	_ = 	snop  }
0x5: {  	_ = 	snop  }
0x6: {  	_ = 	snop  }
0x7: {  	_ = 	snop  }
__scs_overlays_trampoline_lowered:
0x8: {  	[smem:$0x3FAC] =	sst s0  }
0x9: {  	[smem:$0x3FAD] =	sst s1  }
0xa: {  	[smem:$0x3FAE] =	sst s2  }
0xb: {  	[smem:$0x3FAF] =	sst s3  }
0xc: {  	[smem:$0x3FB0] =	sst s4  }
0xd: {  	[smem:$0x3FB1] =	sst s5  }
0xe: {  	[smem:$0x3FB2] =	sst s6  }
0xf: {  	[smem:$0x3FB3] =	sst s7  }
0x10: {  	[smem:$0x3FB4] =	sst s8  }
0x11: {  	[smem:$0x3FB5] =	sst s9;
	s0 =	simm.s32 @!p0 $0x0  }
0x12: {  	s1 =	sld [smem:$0x3F9B];
	s0 =	simm.s32 @p0 $0x1  }
0x13: {  	[smem:$0x3FB6] =	sst s0;
	s0 =	simm.s32 @!p1 $0x0  }
0x14: {  	s2 =	sld [smem:$0x3F9A];
	s0 =	simm.s32 @p1 $0x1  }
0x15: {  	[smem:$0x3FB7] =	sst s0;
	s0 =	simm.s32 @!p2 $0x0  }
0x16: {  	s3 =	sld [smem:$0x3FDB];
	s0 =	simm.s32 @p2 $0x1  }
0x17: {  	s4 =	simm.s32 $0x1BF5;
	[smem:$0x3FB9] =	sst s0  }
0x18: {  	s0 =	sld [smem:$0x3F9C];
	_ =	swait.ge [sflag:s4], $0x0  }
0x19: {  	s7 =	sld [smem:$0x3F9D]  }
0x1a: {  	s8 =	sadd.s32 $0xFFFFE003, lr  }
0x1b: {  	s9 =	sadd.s32 $0xFFFFFEF7, lr;
	s5 =	simm.s32 $0xFFFFFFFF;
	p2 =	slt.u32 s8, $0xFFFFF086  }
0x1c: {  	p1 =	slt.u32 s9, $0xF7A;
	s5 =	simm.s32 @!p2 $0x0  }
0x1d: {  	s5 =	simm.s32 @p1 $0x1;
	p0 =	seq.s32 s7, s2  }
0x1e: {  	s7 =	smul.u32 @!p0 $0xF7A, s2;
	p2 =	seq.s32 @!p0 s5, $0x0  }
0x1f: {  	s9 =	smul.u32 $0xF7A, s1;
	s8 =	simm.s32 @!p0 $0x1BF5;
	p2 =	por !p2, p0  }
0x20: {  	[sflag:s8] =	ssyncset.s32 @!p0 $0xFFFFF086;
	s6 =	sadd.s32 @!p0 s3, s7;
	s7 =	simm.s32 @!p0 $0x108  }
0x21: {  	s3 =	sadd.s32 s3, s9;
	s6 =	sadd.s32 @!p0 $0x88, s6;
	s7 =	simm.s32 @p2 $0x1082  }
0x22: {  	[simem:s7], [sflag:s8] =	dma.local @!p0 [hbm:s6], $0xF7A  }
0x23: {  	s9 =	sor.u32 $0xD0000000, s2;
	s6 =	simm.s32 $0x108;
	_ =	swait.ge @!p0 [sflag:s8], $0x0  }
0x24: {  	s3 =	sadd.s32 $0x88, s3;
	s6 =	simm.s32 @!p1 $0x1082;
	[sflag:s4] =	ssyncset.s32 $0xFFFFF086  }
0x25: {  	[simem:s6], [sflag:s4] =	dma.local [hbm:s3], $0xF7A  }
0x26: {  	[smem:$0x3F9D] =	sst s1;
	(tag) =	ssettag s2;
	_ =	strace s9  }
0x27: {  	s1 =	sld [smem:$0x3FAD]  }
0x28: {  	s2 =	sld [smem:$0x3FAE]  }
0x29: {  	s4 =	sld [smem:$0x3FB0]  }
0x2a: {  	p0 =	seq.s32 s5, $0x0;
	s5 =	sld [smem:$0x3FB1]  }
0x2b: {  	s6 =	sld [smem:$0x3FB2]  }
0x2c: {  	s7 =	sld [smem:$0x3FB3]  }
0x2d: {  	s3 =	simm.s32 $0x108;
	s8 =	sld [smem:$0x3FB4]  }
0x2e: {  	s3 =	simm.s32 @!p0 $0x1082;
	s9 =	sld [smem:$0x3FB5]  }
0x2f: {  	lr =	sadd.s32 s0, s3;
	s0 =	sld [smem:$0x3FAC]  }
0x30: {  	s3 =	sld [smem:$0x3FAF]  }
0x31: {  	[smem:$0x3FB8] =	sst s10  }
0x32: {  	s10 =	sld [smem:$0x3FB6];
	_ =	sdelay $0x3  }
0x33: {  	p0 =	seq.s32 s10, $0x1;
	s10 =	sld [smem:$0x3FB8];
	_ =	sdelay $0x3  }
0x34: {  	[smem:$0x3FB8] =	sst s10  }
0x35: {  	s10 =	sld [smem:$0x3FB7];
	_ =	sdelay $0x3  }
0x36: {  	p1 =	seq.s32 s10, $0x1;
	s10 =	sld [smem:$0x3FB8];
	_ =	sdelay $0x3  }
0x37: {  	[smem:$0x3FB8] =	sst s10  }
0x38: {  	s10 =	sld [smem:$0x3FB9]  }
0x39: {  	_ = 	snop;
	(pc) =	sbr.ind lr, $3  }
0x3a: {  	_ = 	snop  }
0x3b: {  	_ = 	snop  }
0x3c: {  	p2 =	seq.s32 s10, $0x1;
	s10 =	sld [smem:$0x3FB8]  }
0x3d: {  	_ =	shalt  }
0x3e: {  	_ =	shalt  }
0x3f: {  	_ =	shalt  }
0x40: {  	_ =	shalt  }
0x41: {  	_ =	shalt  }
0x42: {  	_ =	shalt  }
0x43: {  	_ =	shalt  }
0x44: {  	_ =	shalt  }
0x45: {  	_ =	shalt  }
0x46: {  	_ =	shalt  }
0x47: {  	_ =	shalt  }
0x48: {  	_ =	shalt  }
0x49: {  	_ =	shalt  }
0x4a: {  	_ =	shalt  }
0x4b: {  	_ =	shalt  }
0x4c: {  	_ =	shalt  }
0x4d: {  	_ =	shalt  }
0x4e: {  	_ =	shalt  }
0x4f: {  	_ =	shalt  }
0x50: {  	_ =	shalt  }
0x51: {  	_ =	shalt  }
0x52: {  	_ =	shalt  }
0x53: {  	_ =	shalt  }
0x54: {  	_ =	shalt  }
0x55: {  	_ =	shalt  }
0x56: {  	_ =	shalt  }
0x57: {  	_ =	shalt  }
0x58: {  	_ =	shalt  }
0x59: {  	_ =	shalt  }
0x5a: {  	_ =	shalt  }
0x5b: {  	_ =	shalt  }
0x5c: {  	_ =	shalt  }
0x5d: {  	_ =	shalt  }
0x5e: {  	_ =	shalt  }
0x5f: {  	_ =	shalt  }
0x60: {  	_ =	shalt  }
0x61: {  	_ =	shalt  }
0x62: {  	_ =	shalt  }
0x63: {  	_ =	shalt  }
0x64: {  	_ =	shalt  }
0x65: {  	_ =	shalt  }
0x66: {  	_ =	shalt  }
0x67: {  	_ =	shalt  }
0x68: {  	_ =	shalt  }
0x69: {  	_ =	shalt  }
0x6a: {  	_ =	shalt  }
0x6b: {  	_ =	shalt  }
0x6c: {  	_ =	shalt  }
0x6d: {  	_ =	shalt  }
0x6e: {  	_ =	shalt  }
0x6f: {  	_ =	shalt  }
0x70: {  	_ =	shalt  }
0x71: {  	_ =	shalt  }
0x72: {  	_ =	shalt  }
0x73: {  	_ =	shalt  }
0x74: {  	_ =	shalt  }
0x75: {  	_ =	shalt  }
0x76: {  	_ =	shalt  }
0x77: {  	_ =	shalt  }
0x78: {  	_ =	shalt  }
0x79: {  	_ =	shalt  }
0x7a: {  	_ =	shalt  }
0x7b: {  	_ =	shalt  }
0x7c: {  	_ =	shalt  }
0x7d: {  	_ =	shalt  }
0x7e: {  	_ =	shalt  }
0x7f: {  	_ =	shalt  }
0x80: {  	_ =	shalt  }
0x81: {  	_ =	shalt  }
0x82: {  	_ =	shalt  }
0x83: {  	_ =	shalt  }
0x84: {  	_ =	shalt  }
0x85: {  	_ =	shalt  }
0x86: {  	_ =	shalt  }
0x87: {  	_ =	shalt  }
.Lfunc_end0:
.L_simem_size_0:
called_computation_lowered:
.L_overlay_start_0:
0x88: {  	s2 =	sld [smem:$0x3FD9]  }
0x89: {  	s3 =	sld [smem:$0x3FFE];
	_ =	sdelay $0x1  }
0x8a: {  	s1 =	srdreg.scid  }
0x8b: {  	s0 =	sand.u32 $0x1, s1  }
0x8c: {  	s18 =	sshll.u32 s0, $0xA;
	s2 =	sadd.s32 s3, s2  }
0x8d: {  	s2 =	sadd.s32 s2, s18  }
0x8e: {  	[smem:$0x3FC4] =	sst s2  }
0x8f: {  	_ = 	snop  }
0x90: {  	s2 =	sld [smem:$0x3FC9]  }
0x91: {  	s19 =	sld [smem:$0x3FC8]  }
0x92: {  	s4 =	sld [smem:$0x3FC7]  }
0x93: {  	s5 =	sld [smem:$0x3FC6]  }
0x94: {  	s6 =	sld [smem:$0x3FD0];
	(tm) =	ssettm $0x1  }
0x95: {  	s7 =	sld [smem:$0x3FFB];
	_ =	sdelay $0x3  }
0x96: {  	_ =	strace s7  }
0x97: {  	s7 =	sld [smem:$0x3FFC];
	_ =	sdelay $0x3  }
0x98: {  	_ =	strace s7  }
0x99: {  	s7 =	sld [smem:$0x3FFD];
	_ =	sdelay $0x3  }
0x9a: {  	_ =	strace s7  }
0x9b: {  	_ =	strace $0x8FFFFFFF  }
0x9c: {  	s20 =	sld [smem:$0x3FDB];
	_ =	sdelay $0x1  }
0x9d: {  	s8 =	simm.s32 $_scs_section_size  }
0x9e: {  	s9 =	simm.s32 $_size__tile_overlayer_lowered;
	s10 =	simm.s32 $_tile_overlayer_lowered  }
0x9f: {  	s23 =	simm.s32 $0x1BFF;
	s22 =	sshll.u32 s10, $0x1;
	s7 =	sadd.s32 s8, s20  }
0xa0: {  	s11 =	simm.s32 $0x0;
	s21 =	sshll.u32 s9, $0x1;
	s9 =	sadd.s32 s22, s7  }
0xa1: {  	[timem:s11], [sflag:s23] =	dma.local [hbm:s9], s21  }
0xa2: {  	_ =	swait.ge [sflag:s23], s21  }
0xa3: {  	s8 =	ssub.s32 $0x0, s21;
	[sflag:s23] =	ssyncset.done $0x0  }
0xa4: {  	[sflag:s23] =	ssyncadd.s32 s8;
	_ =	sdelay $0x1  }
0xa5: {  	s24 =	simm.s32 $0x1B8B  }
0xa6: {  	_ =	swait.ge [sflag:s24], $0x1  }
0xa7: {  	[sflag:s24] =	ssyncset.done $0x0  }
0xa8: {  	s25 =	simm.s32 $0x1B8E;
	[sflag:s24] =	ssyncadd.s32 $0xFFFFFFFF  }
0xa9: {  	s26 =	simm.s32 $execute0_lowered;
	[smem:$0x3FD2] =	sst s25  }
0xaa: {  	s8 =	sshll.u32 s26, $0x1;
	_ =	strace $0x80000046;
	[dreg:$0x1] =	wrdreg $0xFFFFFFFF  }
0xab: {  	s28 =	simm.s32 $_size_execute0_lowered;
	s7 =	sadd.s32 s7, s8;
	[dreg:$0x0] =	wrdreg $0x0  }
0xac: {  	s8 =	sshll.u32 s28, $0x1;
	[dreg:$0x2] =	wrdreg s7  }
0xad: {  	[dreg:$0x3] =	wrdreg s8  }
0xae: {  	[dreg:$0x4] =	wrdreg $0xC0  }
0xaf: {  	_ =	task [dreg:s11], $0x5FFFF  }
0xb0: {  	[dreg:$0x1] =	wrdreg $0xFFFFFFFF  }
0xb1: {  	[dreg:$0x0] =	wrdreg $0x60  }
0xb2: {  	[dreg:$0x2] =	wrdreg s2  }
0xb3: {  	[dreg:$0x3] =	wrdreg s19  }
0xb4: {  	[dreg:$0x4] =	wrdreg s4  }
0xb5: {  	[dreg:$0x5] =	wrdreg s5  }
0xb6: {  	[dreg:$0x6] =	wrdreg s6  }
0xb7: {  	[dreg:$0x7] =	wrdreg $0x9  }
0xb8: {  	_ =	task.clear_ibuf [dreg:s11], $0x8FFFF;
	_ =	strace $0x90000046  }
0xb9: {  	s29 =	simm.s32 $0x9;
	_ =	strace $0x80000048  }
0xba: {  	_ =	swait.ge [sflag:s29], $0x1  }
0xbb: {  	[sflag:s29] =	ssyncadd.s32 $0xFFFFFFFF  }
0xbc: {  	_ =	strace $0x90000048  }
0xbd: {  	_ =	sfence  }
0xbe: {  	s30 =	sld [smem:$0x0];
	_ =	sdelay $0x2  }
0xbf: {  	s31 =	sshll.u32 s1, $0xD;
	s1 =	sshrl.u32 s1, $0x2  }
0xc0: {  	s3 =	sand.u32 $0x4000, s31;
	s1 =	sadd.s32 s1, s30  }
0xc1: {  	s0 =	sor.u32 s3, s0;
	s1 =	sshll.u32 s1, $0x11  }
0xc2: {  	s0 =	sor.u32 s1, s0  }
0xc3: {  	s0 =	sadd.s32 $0x8F2B, s0  }
0xc4: {  	[sflag:s0] =	ssyncadd.remote.s32 $0x1  }
0xc5: {  	_ =	sfence.sel $0xFFFF  }
0xc6: {  	[dreg:$0x0] =	wrdreg $0xFFFFFFFF;
	(pc) =	sbr.abs _section_cstart, $3  }
0xc7: {  	[dreg:$0x1] =	wrdreg $0xFFFFFFFF  }
0xc8: {  	_ =	task.clear_ibuf [dreg:s11], $0x2FFFF;
	_ =	strace $0x9FFFFFFF  }
0xc9: {  	(tm) =	ssettm $0x7FFFFFFF  }
tec
execute0_lowered:
.L_overlay_start_1:
0x0: {  	(tag) =	ssettag $0x1  }
0x1: {  	s4 =	rddreg [dreg:$0x0];
	s6 =	simm.s32 $0x0  }
0x2: {  	s0 =	srdreg.scid;
	[smem:$0x7FF] =	sst s6;
	s23 =	sadd.s32 $0x800, s4  }
0x3: {  	s24 =	sadd.s32 $0x1000, s4;
	_ =	strace $0x80000047;
	[dreg:$0x7] =	wrdreg s23  }
0x4: {  	s3 =	stileid.u32;
	s25 =	sadd.s32 $0x1800, s4;
	[dreg:$0x8] =	wrdreg s24  }
0x5: {  	s0 =	sand.u32 $0x1, s0;
	s26 =	sadd.s32 $0x2000, s4;
	[dreg:$0x9] =	wrdreg s25  }
0x6: {  	s3 =	sshll.u32 s3, $0x2;
	s28 =	sadd.s32 $0x2800, s4;
	[dreg:$0xa] =	wrdreg s26  }
0x7: {  	s29 =	sadd.s32 $0x3000, s4;
	s30 =	sadd.s32 $0x3800, s4;
	[dreg:$0xb] =	wrdreg s28  }
0x8: {  	s31 =	sadd.s32 $0x3E80, s4;
	s1 =	ssub.s32 $0x2, s0;
	[dreg:$0xc] =	wrdreg s29  }
0x9: {  	s0 =	sshll.u32 s0, $0x1;
	[dreg:$0xd] =	wrdreg s30;
	s2 =	sshrl.u32 s1, $0x1  }
0xa: {  	v3 =	vlaneseq.u32;
	v2 =	vimm.s32 $0x0;
	[dreg:$0xe] =	wrdreg s31;
	s0 =	sor.u32 s0, s3;
	s1 =	ssub.s32 s1, s2  }
0xb: {  	vm0 =	vmmov $0xffff;
	vm1 =	vmmov $0x3fff;
	v0 =	vshrl.u32 v3, $0x3;
	[dreg:$0x6] =	wrdreg s0;
	s1 =	smax.u32 s1, $0x1  }
0xc: {  	vm2 =	vmmov $0x1fff;
	v3 =	vmul.u32 $0x8, v3;
	v1 =	vor.u32 s0, v0;
	s2 =	simm.s32 $0x0;
	[dreg:$0xf] =	wrdreg s1  }
.LBB2_1:
0xd: {  	[dreg:$0x10] =	wrdreg s2  }
0xe: {  	[tilespmem:$0x100] =	vst v2;
	s0 =	rddreg [dreg:$0x3];
	s1 =	simm.s32 $0x100;
	s14 =	simm.s32 $0x9  }
0xf: {  	[tilespmem:s1], [sflag:$0x9] =	stream.linear.gather [hbm4b:s0+s6], $0x1, $0x38;
	[tilespmem:$0x1F780] =	vst v63  }
0x10: {  	_ =	swait.ge [sflag:s14], $0x1  }
0x11: {  	[sflag:s14] =	ssyncset.done $0x0  }
0x12: {  	[sflag:s14] =	ssyncadd.s32 $0xFFFFFFFF  }
0x13: {  	s16 =	simm.s32 $0x180;
	s15 =	rddreg [dreg:$0x2]  }
0x14: {  	[tilespmem:s16], [sflag:$0x9] =	stream.linear.gather [hbm4b:s15+s6], $0x40, $0x38;
	[tilespmem:$0x1F780] =	vst v63  }
0x15: {  	_ =	swait.ge [sflag:s14], $0x40  }
0x16: {  	[sflag:s14] =	ssyncset.done $0x0  }
0x17: {  	[sflag:s14] =	ssyncadd.s32 $0xFFFFFFC0  }
0x18: {  	v4 =	vld [tilespmem:$0x100];
	_ =	sdelay $0x4  }
0x19: {  	v4 =	vxor.u32 $0x80000000, v4  }
0x1a: {  	(xrf0) =	vmax.scan.msk.u32 $0xffff, v4  }
0x1b: {  	s17 =	rddreg [dreg:$0x6]  }
0x1c: {  	v4 =	vld [tilespmem:s17+$0x180];
	_ =	sdelay $0x3  }
0x1d: {  	v5, _, _ =	vpop (xrf0)  }
0x1e: {  	v4 =	vperm.xlane v4, v0;
	(v2sf) =	vpush v5, $0xF;
	_ =	sdelay $0x1  }
0x1f: {  	[tilespmem:$0x0] =	vst v4  }
0x20: {  	v4 =	vld.msk [tilespmem:$0x0], $0x1;
	_ =	sdelay $0x4  }
0x21: {  	v5 =	vshrl.u32 v4, $0x3  }
0x22: {  	v5 =	vmul.u32 $0x1D50, v5  }
0x23: {  	v4 =	vand.u32 $0x7, v4  }
0x24: {  	v4 =	vor.u32 v4, v5  }
0x25: {  	v4 =	vperm.xlane v4, v2;
	_ =	sdelay $0x1  }
0x26: {  	v4 =	vadd.s32 v3, v4  }
0x27: {  	s0 =	spop (v2sf)  }
0x28: {  	s2 =	rddreg [dreg:$0x1];
	s18 =	sand.u32 $0xFFFFFF80, s0  }
0x29: {  	s1 =	sadd.s32 s18, s2  }
0x2a: {  	s19 =	simm.s32 $0x200;
	[tilespmem:$0x80] =	vst v1;
	s4 =	sadd.s32 $0x80000000, s1  }
0x2b: {  	[tilespmem:s19], [sflag:$0x1] =	stream.indirect_vreg.gather [hbm4b:s4+s6], $0x80, v4, vm0, $0xb8;
	[tilespmem:$0x1F780] =	vst v63  }
0x2c: {  	s3 =	simm.s32 $0xA00;
	s20 =	sadd.s32 $0x800, s4  }
0x2d: {  	[tilespmem:s3], [sflag:$0x1] =	stream.indirect_vreg.gather [hbm4b:s20+s6], $0x80, v4, vm0, $0xb8;
	[tilespmem:$0x1F780] =	vst v63  }
0x2e: {  	s22 =	simm.s32 $0x1200;
	s21 =	sadd.s32 $0x1000, s4  }
0x2f: {  	[tilespmem:s22], [sflag:$0x1] =	stream.indirect_vreg.gather [hbm4b:s21+s6], $0x80, v4, vm0, $0xb8;
	[tilespmem:$0x1F780] =	vst v63  }
0x30: {  	s24 =	simm.s32 $0x1A00;
	s23 =	sadd.s32 $0x1800, s4  }
0x31: {  	[tilespmem:s24], [sflag:$0x1] =	stream.indirect_vreg.gather [hbm4b:s23+s6], $0x80, v4, vm0, $0xb8;
	[tilespmem:$0x1F780] =	vst v63  }
0x32: {  	s26 =	simm.s32 $0x2200;
	s25 =	sadd.s32 $0x2000, s4  }
0x33: {  	[tilespmem:s26], [sflag:$0x1] =	stream.indirect_vreg.gather [hbm4b:s25+s6], $0x80, v4, vm0, $0xb8;
	[tilespmem:$0x1F780] =	vst v63  }
0x34: {  	s5 =	simm.s32 $0x2A00;
	s3 =	sadd.s32 $0x2800, s4  }
0x35: {  	[tilespmem:s5], [sflag:$0x1] =	stream.indirect_vreg.gather [hbm4b:s3+s6], $0x80, v4, vm0, $0xb8;
	[tilespmem:$0x1F780] =	vst v63  }
0x36: {  	s8 =	simm.s32 $0x3200;
	s7 =	sadd.s32 $0x3000, s4  }
0x37: {  	[tilespmem:s8], [sflag:$0x1] =	stream.indirect_vreg.gather [hbm4b:s7+s6], $0x80, v4, vm0, $0xb8;
	[tilespmem:$0x1F780] =	vst v63  }
0x38: {  	s10 =	simm.s32 $0x3A00;
	s9 =	sadd.s32 $0x3800, s4  }
0x39: {  	[tilespmem:s10], [sflag:$0x1] =	stream.indirect_vreg.gather [hbm4b:s9+s6], $0x80, v4, vm1, $0xb8;
	[tilespmem:$0x1F780] =	vst v63  }
0x3a: {  	v4 =	vld.msk [tilespmem:$0x80], $0x1;
	_ =	sdelay $0x4  }
0x3b: {  	v5 =	vshrl.u32 v4, $0x3  }
0x3c: {  	v5 =	vmul.u32 $0x1388, v5  }
0x3d: {  	v4 =	vand.u32 $0x7, v4  }
0x3e: {  	v4 =	vor.u32 v4, v5  }
0x3f: {  	v4 =	vperm.xlane v4, v2;
	_ =	sdelay $0x1  }
0x40: {  	v4 =	vadd.s32 v3, v4;
	_ =	sdelay $0x3  }
0x41: {  	s11 =	rddreg [dreg:$0x0];
	s24 =	simm.s32 $0xBF00  }
0x42: {  	[tilespmem:s24], [sflag:$0x4] =	stream.indirect_vreg.gather [hbm4b:s11+s6], $0x80, v4, vm0, $0xb8;
	[tilespmem:$0x1F780] =	vst v63  }
0x43: {  	s13 =	simm.s32 $0xC700;
	s12 =	rddreg [dreg:$0x7]  }
0x44: {  	[tilespmem:s13], [sflag:$0x4] =	stream.indirect_vreg.gather [hbm4b:s12+s6], $0x80, v4, vm0, $0xb8;
	[tilespmem:$0x1F780] =	vst v63  }
0x45: {  	s15 =	simm.s32 $0xCF00;
	s14 =	rddreg [dreg:$0x8]  }
0x46: {  	[tilespmem:s15], [sflag:$0x4] =	stream.indirect_vreg.gather [hbm4b:s14+s6], $0x80, v4, vm0, $0xb8;
	[tilespmem:$0x1F780] =	vst v63  }
0x47: {  	s16 =	rddreg [dreg:$0x9];
	s17 =	simm.s32 $0xD700  }
0x48: {  	[tilespmem:s17], [sflag:$0x4] =	stream.indirect_vreg.gather [hbm4b:s16+s6], $0x80, v4, vm0, $0xb8;
	[tilespmem:$0x1F780] =	vst v63  }
0x49: {  	s18 =	rddreg [dreg:$0xa];
	s19 =	simm.s32 $0xDF00  }
0x4a: {  	[tilespmem:s19], [sflag:$0x4] =	stream.indirect_vreg.gather [hbm4b:s18+s6], $0x80, v4, vm0, $0xb8;
	[tilespmem:$0x1F780] =	vst v63  }
0x4b: {  	s20 =	rddreg [dreg:$0xb];
	s21 =	simm.s32 $0xE700  }
0x4c: {  	[tilespmem:s21], [sflag:$0x4] =	stream.indirect_vreg.gather [hbm4b:s20+s6], $0x80, v4, vm0, $0xb8;
	[tilespmem:$0x1F780] =	vst v63  }
0x4d: {  	s22 =	rddreg [dreg:$0xc];
	s23 =	simm.s32 $0xEF00  }
0x4e: {  	[tilespmem:s23], [sflag:$0x4] =	stream.indirect_vreg.gather [hbm4b:s22+s6], $0x80, v4, vm0, $0xb8;
	[tilespmem:$0x1F780] =	vst v63  }
0x4f: {  	s25 =	rddreg [dreg:$0xd];
	s26 =	simm.s32 $0xF700  }
0x50: {  	[tilespmem:s26], [sflag:$0x4] =	stream.indirect_vreg.gather [hbm4b:s25+s6], $0x80, v4, vm2, $0xb8;
	[tilespmem:$0x1F780] =	vst v63  }
0x51: {  	v4 =	vld.msk [tilespmem:$0x0], $0x1;
	_ =	sdelay $0x4  }
0x52: {  	v5 =	vshrl.u32 v4, $0x3  }
0x53: {  	v5 =	vmul.u32 $0x1D50, v5  }
0x54: {  	v4 =	vand.u32 $0x7, v4  }
0x55: {  	v4 =	vor.u32 v4, v5  }
0x56: {  	v4 =	vperm.xlane v4, v2;
	_ =	sdelay $0x1  }
0x57: {  	[dreg:$0x11] =	wrdreg s4;
	s4 =	sshll.u32 s0, $0x3;
	v4 =	vadd.s32 v3, v4  }
0x58: {  	s1 =	sand.u32 $0xFFFFFC00, s4  }
0x59: {  	s1 =	sadd.s32 $0x1F400, s1  }
0x5a: {  	s1 =	sshrl.u32 s1, $0x3  }
0x5b: {  	s1 =	sadd.s32 s2, s1;
	s5 =	simm.s32 $0x4100  }
0x5c: {  	[tilespmem:s5], [sflag:$0x2] =	stream.indirect_vreg.gather [hbm4b:s1+s6], $0x80, v4, vm0, $0xb8;
	[tilespmem:$0x1F780] =	vst v63  }
0x5d: {  	s7 =	sadd.s32 $0x800, s1;
	s8 =	simm.s32 $0x4900  }
0x5e: {  	[tilespmem:s8], [sflag:$0x2] =	stream.indirect_vreg.gather [hbm4b:s7+s6], $0x80, v4, vm0, $0xb8;
	[tilespmem:$0x1F780] =	vst v63  }
0x5f: {  	s9 =	sadd.s32 $0x1000, s1;
	s10 =	simm.s32 $0x5100  }
0x60: {  	[tilespmem:s10], [sflag:$0x2] =	stream.indirect_vreg.gather [hbm4b:s9+s6], $0x80, v4, vm0, $0xb8;
	[tilespmem:$0x1F780] =	vst v63  }
0x61: {  	s11 =	sadd.s32 $0x1800, s1;
	s12 =	simm.s32 $0x5900  }
0x62: {  	[tilespmem:s12], [sflag:$0x2] =	stream.indirect_vreg.gather [hbm4b:s11+s6], $0x80, v4, vm0, $0xb8;
	[tilespmem:$0x1F780] =	vst v63  }
0x63: {  	s13 =	sadd.s32 $0x2000, s1;
	s14 =	simm.s32 $0x6100  }
0x64: {  	[tilespmem:s14], [sflag:$0x2] =	stream.indirect_vreg.gather [hbm4b:s13+s6], $0x80, v4, vm0, $0xb8;
	[tilespmem:$0x1F780] =	vst v63  }
0x65: {  	s15 =	sadd.s32 $0x2800, s1;
	s16 =	simm.s32 $0x6900  }
0x66: {  	[tilespmem:s16], [sflag:$0x2] =	stream.indirect_vreg.gather [hbm4b:s15+s6], $0x80, v4, vm0, $0xb8;
	[tilespmem:$0x1F780] =	vst v63  }
0x67: {  	s17 =	sadd.s32 $0x3000, s1;
	s18 =	simm.s32 $0x7100  }
0x68: {  	[tilespmem:s18], [sflag:$0x2] =	stream.indirect_vreg.gather [hbm4b:s17+s6], $0x80, v4, vm0, $0xb8;
	[tilespmem:$0x1F780] =	vst v63  }
0x69: {  	s19 =	simm.s32 $0x7900;
	s1 =	sadd.s32 $0x3800, s1  }
0x6a: {  	[tilespmem:s19], [sflag:$0x2] =	stream.indirect_vreg.gather [hbm4b:s1+s6], $0x80, v4, vm1, $0xb8;
	[tilespmem:$0x1F780] =	vst v63  }
0x6b: {  	v4 =	vld.msk [tilespmem:$0x80], $0x1;
	_ =	sdelay $0x4  }
0x6c: {  	v5 =	vshrl.u32 v4, $0x3  }
0x6d: {  	v5 =	vmul.u32 $0x1388, v5  }
0x6e: {  	v4 =	vand.u32 $0x7, v4  }
0x6f: {  	v4 =	vor.u32 v4, v5  }
0x70: {  	v4 =	vperm.xlane v4, v2;
	_ =	sdelay $0x1  }
0x71: {  	p0 =	por $0x0, $0x0;
	v4 =	vadd.s32 v3, v4  }
0x72: {  	s4 =	simm.s32 $0x11580;
	s20 =	rddreg [dreg:$0xe];
	s21 =	simm.s32 $0xFD80  }
0x73: {  	s3 =	sadd.s32 $0x1800, s20;
	s22 =	sadd.s32 $0x800, s20;
	s23 =	simm.s32 $0x10580  }
0x74: {  	s25 =	sadd.s32 $0x1000, s20;
	s26 =	simm.s32 $0x10D80;
	s5 =	sadd.s32 $0x2000, s20  }
0x75: {  	s7 =	simm.s32 $0x11D80;
	s8 =	sadd.s32 $0x2800, s20;
	s9 =	simm.s32 $0x12580  }
0x76: {  	[tilespmem:s21], [sflag:$0x5] =	stream.indirect_vreg.gather [hbm4b:s20+s6], $0x80, v4, vm0, $0xb8;
	[tilespmem:$0x1F780] =	vst v63  }
0x77: {  	s10 =	sadd.s32 $0x3000, s20;
	s11 =	simm.s32 $0x12D80;
	s12 =	sadd.s32 $0x3800, s20  }
0x78: {  	[tilespmem:s23], [sflag:$0x5] =	stream.indirect_vreg.gather [hbm4b:s22+s6], $0x80, v4, vm0, $0xb8;
	[tilespmem:$0x1F780] =	vst v63  }
0x79: {  	s13 =	simm.s32 $0x13580;
	s14 =	sadd.s32 $0x10, s0;
	s15 =	sadd.s32 $0x20, s0  }
0x7a: {  	[tilespmem:s26], [sflag:$0x5] =	stream.indirect_vreg.gather [hbm4b:s25+s6], $0x80, v4, vm0, $0xb8;
	[tilespmem:$0x1F780] =	vst v63  }
0x7b: {  	s16 =	sand.u32 $0x7F, s14;
	s17 =	sadd.s32 $0x30, s0;
	s25 =	sand.u32 $0x7F, s0  }
0x7c: {  	s2 =	sand.u32 $0x7F, s15;
	s18 =	sand.u32 $0x7F, s17;
	s1 =	sshll.u32 s25, $0x2  }
0x7d: {  	[tilespmem:s4], [sflag:$0x5] =	stream.indirect_vreg.gather [hbm4b:s3+s6], $0x80, v4, vm0, $0xb8;
	[tilespmem:$0x1F780] =	vst v63  }
0x7e: {  	s19 =	sadd.s32 $0x50, s0;
	s20 =	sadd.s32 $0x40, s1;
	s21 =	sadd.s32 $0x80, s1  }
0x7f: {  	[tilespmem:s7], [sflag:$0x5] =	stream.indirect_vreg.gather [hbm4b:s5+s6], $0x80, v4, vm0, $0xb8;
	[tilespmem:$0x1F780] =	vst v63  }
0x80: {  	s17 =	sadd.s32 $0x100, s1;
	s3 =	sand.u32 $0x200, s21;
	s7 =	sxor.u32 $0x40, s25  }
0x81: {  	[tilespmem:s9], [sflag:$0x5] =	stream.indirect_vreg.gather [hbm4b:s8+s6], $0x80, v4, vm0, $0xb8;
	[tilespmem:$0x1F780] =	vst v63  }
0x82: {  	s5 =	sadd.s32 $0x60, s0;
	s0 =	sadd.s32 $0x70, s0;
	s9 =	sand.u32 $0x7F, s19  }
0x83: {  	[tilespmem:s11], [sflag:$0x5] =	stream.indirect_vreg.gather [hbm4b:s10+s6], $0x80, v4, vm0, $0xb8;
	[tilespmem:$0x1F780] =	vst v63  }
0x84: {  	s8 =	sshll.u32 s16, $0x2;
	s10 =	sand.u32 $0x7F, s5;
	s5 =	sand.u32 $0x200, s20  }
0x85: {  	s0 =	sand.u32 $0x7F, s0;
	s9 =	sshll.u32 s9, $0x2;
	s11 =	sor.u32 s8, s5  }
0x86: {  	[tilespmem:s13], [sflag:$0x5] =	stream.indirect_vreg.gather [hbm4b:s12+s6], $0x80, v4, vm2, $0xb8;
	[tilespmem:$0x1F780] =	vst v63  }
0x87: {  	s5 =	sshll.u32 s2, $0x2;
	s2 =	sand.u32 $0x200, s17;
	s22 =	sshrl.u32 s11, $0x2  }
0x88: {  	s3 =	sor.u32 s5, s3;
	s12 =	sadd.s32 $0xC0, s1;
	s11 =	sshll.u32 s18, $0x2  }
0x89: {  	s13 =	sadd.s32 $0x3C0, s1;
	s18 =	sadd.s32 $0x140, s1;
	s26 =	sor.u32 $0x200, s22  }
0x8a: {  	s23 =	sshrl.u32 s3, $0x2;
	s3 =	sand.u32 $0x200, s12;
	s4 =	sand.u32 $0x600, s13  }
0x8b: {  	s12 =	sshll.u32 s0, $0x2;
	s22 =	sadd.s32 $0x380, s1;
	s13 =	sadd.s32 $0x1C0, s1  }
0x8c: {  	s3 =	sor.u32 s11, s3;
	s28 =	sor.u32 $0x200, s23;
	s15 =	sor.u32 s12, s4  }
0x8d: {  	s4 =	sshll.u32 s7, $0x2;
	s23 =	sshll.u32 s10, $0x2;
	s10 =	sadd.s32 $0x180, s1  }
0x8e: {  	s14 =	sshrl.u32 s3, $0x2;
	s16 =	sshrl.u32 s15, $0x2;
	s2 =	sor.u32 s4, s2  }
0x8f: {  	s3 =	sand.u32 $0x200, s18;
	s7 =	sand.u32 $0x200, s10;
	s15 =	sand.u32 $0x200, s13  }
0x90: {  	s13 =	sadd.s32 $0x300, s1;
	s29 =	sor.u32 $0x200, s14;
	s30 =	sor.u32 $0x200, s16  }
0x91: {  	s19 =	sshrl.u32 s2, $0x2;
	s20 =	sor.u32 s9, s3;
	s2 =	sand.u32 $0x600, s22  }
0x92: {  	s3 =	sor.u32 s23, s7;
	s10 =	sor.u32 s12, s15;
	s16 =	sadd.s32 $0x340, s1  }
0x93: {  	s18 =	sand.u32 $0x600, s13;
	s13 =	simm.s32 $0xBF80;
	s31 =	sor.u32 $0x200, s19  }
0x94: {  	s21 =	sshrl.u32 s20, $0x2;
	s2 =	sor.u32 s23, s2;
	s14 =	sshrl.u32 s3, $0x2  }
0x95: {  	s17 =	sand.u32 $0x600, s16;
	s10 =	sshrl.u32 s10, $0x2;
	s19 =	sor.u32 s4, s18  }
0x96: {  	s20 =	sadd.s32 $0x240, s1;
	s0 =	sor.u32 $0x200, s21;
	s2 =	sshrl.u32 s2, $0x2  }
0x97: {  	s3 =	sor.u32 $0x200, s14;
	s4 =	sor.u32 $0x200, s10;
	s21 =	sadd.s32 $0x2C0, s1  }
0x98: {  	s1 =	sadd.s32 $0x280, s1;
	s14 =	simm.s32 $0x0;
	s7 =	sor.u32 $0x200, s2  }
0x99: {  	s2 =	sor.u32 s9, s17;
	s9 =	sshrl.u32 s19, $0x2;
	s10 =	sand.u32 $0x600, s21  }
0x9a: {  	s1 =	sand.u32 $0x600, s1;
	s2 =	sshrl.u32 s2, $0x2;
	s10 =	sor.u32 s11, s10  }
0x9b: {  	s18 =	sor.u32 $0x200, s2;
	s2 =	sor.u32 $0x200, s9;
	s9 =	sand.u32 $0x600, s20  }
0x9c: {  	s1 =	sor.u32 s5, s1;
	s23 =	sshrl.u32 s10, $0x2;
	s8 =	sor.u32 s8, s9  }
0x9d: {  	s1 =	sshrl.u32 s1, $0x2;
	s9 =	sor.u32 $0x280, s25;
	s22 =	sshrl.u32 s8, $0x2  }
0x9e: {  	s11 =	sor.u32 $0x200, s23;
	s12 =	sor.u32 $0x200, s1;
	s10 =	sor.u32 $0x200, s22  }
.LBB2_2:
0x9f: {  	p1 =	sgt.u32 s14, $0x7  }
.Ltmp0:
0xa0: {  	_ = 	snop;
	(pc) =	sbr.rel @p1 .LBB2_4-.Ltmp0, $1  }
0xa1: {  	_ =	sdelay $0x3  }
0xa2: {  	p1 =	sgt.u32 s14, $0x2;
	s1 =	simm.s32 $0x8  }
0xa3: {  	s1 =	simm.s32 @!p1 $0x0  }
0xa4: {  	v4 =	vld.msk [tilespmem:s1+$0x0], $0x1;
	_ =	sdelay $0x2  }
0xa5: {  	s5 =	sadd.s32 $0x2, s14  }
0xa6: {  	s8 =	smul.u32 $0xAB, s5  }
0xa7: {  	v5 =	vshrl.u32 v4, $0x3  }
0xa8: {  	s8 =	sshrl.u32 s8, $0x9;
	v5 =	vmul.u32 $0x1D50, v5  }
0xa9: {  	s8 =	sand.u32 $0x7F, s8;
	v4 =	vand.u32 $0x7, v4  }
0xaa: {  	s8 =	smul.u32 $0x3, s8;
	v4 =	vor.u32 v4, v5  }
0xab: {  	v4 =	vperm.xlane v4, v2  }
0xac: {  	s8 =	ssub.s32 s5, s8  }
0xad: {  	s15 =	sadd.s32 $0xFFFFFFFD, s14;
	p1 =	slt.u32 s14, $0x3;
	s8 =	sand.u32 $0xFF, s8;
	v4 =	vadd.s32 v3, v4  }
0xae: {  	s15 =	smov.u32 @p1 s5;
	s16 =	smul.u32 $0xFC00, s8  }
0xaf: {  	s5 =	smul.u32 $0x3E80, s15  }
0xb0: {  	s19 =	rddreg [dreg:$0x11];
	s15 =	sshrl.u32 s16, $0x2  }
0xb1: {  	s19 =	sadd.s32 s5, s19;
	s16 =	sadd.s32 $0x1, s8;
	s17 =	sadd.s32 $0x200, s15  }
0xb2: {  	[tilespmem:s17], [sflag:s16] =	stream.indirect_vreg.gather [hbm4b:s19+s6], $0x80, v4, vm0, $0xb8;
	[tilespmem:$0x1F780] =	vst v63  }
0xb3: {  	s21 =	sadd.s32 $0x800, s19;
	s20 =	sadd.s32 $0xA00, s15  }
0xb4: {  	[tilespmem:s20], [sflag:s16] =	stream.indirect_vreg.gather [hbm4b:s21+s6], $0x80, v4, vm0, $0xb8;
	[tilespmem:$0x1F780] =	vst v63  }
0xb5: {  	s22 =	sadd.s32 $0x1000, s19;
	s23 =	sadd.s32 $0x1200, s15  }
0xb6: {  	[tilespmem:s23], [sflag:s16] =	stream.indirect_vreg.gather [hbm4b:s22+s6], $0x80, v4, vm0, $0xb8;
	[tilespmem:$0x1F780] =	vst v63  }
0xb7: {  	s20 =	sadd.s32 $0x1800, s19;
	s21 =	sadd.s32 $0x1A00, s15  }
0xb8: {  	[tilespmem:s21], [sflag:s16] =	stream.indirect_vreg.gather [hbm4b:s20+s6], $0x80, v4, vm0, $0xb8;
	[tilespmem:$0x1F780] =	vst v63  }
0xb9: {  	s22 =	sadd.s32 $0x2000, s19;
	s23 =	sadd.s32 $0x2200, s15  }
0xba: {  	[tilespmem:s23], [sflag:s16] =	stream.indirect_vreg.gather [hbm4b:s22+s6], $0x80, v4, vm0, $0xb8;
	[tilespmem:$0x1F780] =	vst v63  }
0xbb: {  	s20 =	sadd.s32 $0x2800, s19;
	s21 =	sadd.s32 $0x2A00, s15  }
0xbc: {  	[tilespmem:s21], [sflag:s16] =	stream.indirect_vreg.gather [hbm4b:s20+s6], $0x80, v4, vm0, $0xb8;
	[tilespmem:$0x1F780] =	vst v63  }
0xbd: {  	s22 =	sadd.s32 $0x3000, s19;
	s23 =	sadd.s32 $0x3200, s15  }
0xbe: {  	[tilespmem:s23], [sflag:s16] =	stream.indirect_vreg.gather [hbm4b:s22+s6], $0x80, v4, vm0, $0xb8;
	[tilespmem:$0x1F780] =	vst v63  }
0xbf: {  	s1 =	sor.u32 $0x80, s1;
	s15 =	sadd.s32 $0x3A00, s15;
	s20 =	sadd.s32 $0x3800, s19  }
0xc0: {  	[tilespmem:s15], [sflag:s16] =	stream.indirect_vreg.gather [hbm4b:s20+s6], $0x80, v4, vm1, $0xb8;
	[tilespmem:$0x1F780] =	vst v63  }
0xc1: {  	v4 =	vld.msk [tilespmem:s1+$0x0], $0x1;
	_ =	sdelay $0x4  }
0xc2: {  	v5 =	vshrl.u32 v4, $0x3  }
0xc3: {  	v5 =	vmul.u32 $0x1388, v5  }
0xc4: {  	v4 =	vand.u32 $0x7, v4  }
0xc5: {  	v4 =	vor.u32 v4, v5  }
0xc6: {  	v4 =	vperm.xlane v4, v2;
	_ =	sdelay $0x1  }
0xc7: {  	v4 =	vadd.s32 v3, v4  }
0xc8: {  	s21 =	smul.u32 $0xFA00, s8;
	_ =	sdelay $0x1  }
0xc9: {  	s23 =	rddreg [dreg:$0x0];
	s1 =	sshrl.u32 s21, $0x2  }
0xca: {  	s8 =	sor.u32 $0x4, s8;
	s5 =	sadd.s32 s23, s5;
	s22 =	sadd.s32 $0xBF00, s1  }
0xcb: {  	[tilespmem:s22], [sflag:s8] =	stream.indirect_vreg.gather [hbm4b:s5+s6], $0x80, v4, vm0, $0xb8;
	[tilespmem:$0x1F780] =	vst v63  }
0xcc: {  	s17 =	sadd.s32 $0x800, s5;
	s19 =	sadd.s32 $0xC700, s1  }
0xcd: {  	[tilespmem:s19], [sflag:s8] =	stream.indirect_vreg.gather [hbm4b:s17+s6], $0x80, v4, vm0, $0xb8;
	[tilespmem:$0x1F780] =	vst v63  }
0xce: {  	s20 =	sadd.s32 $0x1000, s5;
	s21 =	sadd.s32 $0xCF00, s1  }
0xcf: {  	[tilespmem:s21], [sflag:s8] =	stream.indirect_vreg.gather [hbm4b:s20+s6], $0x80, v4, vm0, $0xb8;
	[tilespmem:$0x1F780] =	vst v63  }
0xd0: {  	s23 =	sadd.s32 $0xD700, s1;
	s22 =	sadd.s32 $0x1800, s5  }
0xd1: {  	[tilespmem:s23], [sflag:s8] =	stream.indirect_vreg.gather [hbm4b:s22+s6], $0x80, v4, vm0, $0xb8;
	[tilespmem:$0x1F780] =	vst v63  }
0xd2: {  	s17 =	sadd.s32 $0x2000, s5;
	s19 =	sadd.s32 $0xDF00, s1  }
0xd3: {  	[tilespmem:s19], [sflag:s8] =	stream.indirect_vreg.gather [hbm4b:s17+s6], $0x80, v4, vm0, $0xb8;
	[tilespmem:$0x1F780] =	vst v63  }
0xd4: {  	s20 =	sadd.s32 $0x2800, s5;
	s21 =	sadd.s32 $0xE700, s1  }
0xd5: {  	[tilespmem:s21], [sflag:s8] =	stream.indirect_vreg.gather [hbm4b:s20+s6], $0x80, v4, vm0, $0xb8;
	[tilespmem:$0x1F780] =	vst v63  }
0xd6: {  	s22 =	sadd.s32 $0x3000, s5;
	s23 =	sadd.s32 $0xEF00, s1  }
0xd7: {  	[tilespmem:s23], [sflag:s8] =	stream.indirect_vreg.gather [hbm4b:s22+s6], $0x80, v4, vm0, $0xb8;
	[tilespmem:$0x1F780] =	vst v63  }
0xd8: {  	s5 =	sadd.s32 $0x3800, s5;
	s1 =	sadd.s32 $0xF700, s1  }
0xd9: {  	[tilespmem:s1], [sflag:s8] =	stream.indirect_vreg.gather [hbm4b:s5+s6], $0x80, v4, vm2, $0xb8;
	[tilespmem:$0x1F780] =	vst v63  }
.LBB2_4:
0xda: {  	s1 =	smul.u32 $0xAB, s14;
	_ =	sdelay $0x1  }
0xdb: {  	s1 =	sshrl.u32 s1, $0x9  }
0xdc: {  	s1 =	sand.u32 $0x7F, s1  }
0xdd: {  	s1 =	smul.u32 $0x3, s1  }
0xde: {  	s5 =	smulhi.u32 $0xAAAAAAAB, s14  }
0xdf: {  	s1 =	ssub.s32 s14, s1  }
0xe0: {  	s8 =	sshrl.u32 s5, $0x1;
	s5 =	sand.u32 $0xFF, s1  }
0xe1: {  	s20 =	smul.u32 $0xFFFD1200, s8;
	s15 =	sadd.s32 $0x1, s5  }
0xe2: {  	s8 =	smul.u32 $0xFFFD0C00, s8;
	_ =	swait.ge [sflag:s15], $0x3F00  }
0xe3: {  	p1 =	slt.u32 s14, $0x2;
	[sflag:s15] =	ssyncset.done $0x0  }
0xe4: {  	s8 =	sshra.s32 s8, $0x2;
	s16 =	sadd.s32 $0x4, s5;
	[sflag:s15] =	ssyncadd.s32 $0xFFFFC100  }
0xe5: {  	s17 =	sadd.s32 s8, s30;
	s19 =	sadd.s32 s8, s9;
	_ =	swait.ge [sflag:s16], $0x3E80  }
0xe6: {  	s1 =	sshra.s32 s20, $0x2;
	v4 =	vmov s17;
	s15 =	sand.u32 $0x1, s14;
	[sflag:s16] =	ssyncset.done $0x0  }
0xe7: {  	v6 =	vmov s19;
	s21 =	sadd.s32 s1, s13;
	[sflag:s16] =	ssyncadd.s32 $0xFFFFC180;
	s16 =	sadd.s32 @!p1 $0x7, s15  }
0xe8: {  	s22 =	sadd.s32 s8, s26;
	v5 =	vmov s21;
	_ =	swait.ge @!p1 [sflag:s16], $0x3E80  }
0xe9: {  	s23 =	sadd.s32 s8, s28;
	v7 =	vmov s22;
	[sflag:s16] =	ssyncset.done @!p1 $0x0  }
0xea: {  	s20 =	sadd.s32 s8, s29;
	v8 =	vmov s23;
	s17 =	simm.s32 $0x0;
	[sflag:s16] =	ssyncadd.s32 @!p1 $0xFFFFC180  }
0xeb: {  	v9 =	vmov s20;
	s21 =	sadd.s32 s8, s31;
	v14 =	vld.idx.msk [tilespmem:v4+s17+$0x0 ss:$0x1], $0xffff  }
0xec: {  	s22 =	sadd.s32 s8, s0;
	v10 =	vmov s21;
	v21 =	vld.idx.msk [tilespmem:v6+s17+$0xFFFFFF80 ss:$0x1], $0xffff  }
0xed: {  	s23 =	sadd.s32 s8, s3;
	v11 =	vmov s22;
	v22 =	vld.idx.msk [tilespmem:v5+s17+$0x70 ss:$0x1], $0xffff  }
0xee: {  	s20 =	sadd.s32 s8, s4;
	v12 =	vmov s23;
	v23 =	vld.idx.msk [tilespmem:v7+s17+$0x0 ss:$0x1], $0xffff  }
0xef: {  	v13 =	vmov s20;
	v24 =	vld.idx.msk [tilespmem:v8+s17+$0x0 ss:$0x1], $0xffff  }
0xf0: {  	s21 =	sadd.s32 s8, s10;
	v25 =	vld.idx.msk [tilespmem:v9+s17+$0x0 ss:$0x1], $0xffff  }
0xf1: {  	s22 =	sadd.s32 s8, s12;
	v15 =	vmov s21;
	v26 =	vld.idx.msk [tilespmem:v10+s17+$0x0 ss:$0x1], $0xffff  }
0xf2: {  	s23 =	sadd.s32 s8, s11;
	v16 =	vmov s22;
	v27 =	vld.idx.msk [tilespmem:v11+s17+$0x0 ss:$0x1], $0xffff  }
0xf3: {  	s20 =	sadd.s32 s8, s2;
	v17 =	vmov s23;
	v28 =	vld.idx.msk [tilespmem:v12+s17+$0x0 ss:$0x1], $0xffff  }
0xf4: {  	v18 =	vmov s20;
	s21 =	sadd.s32 s8, s18;
	v29 =	vld.idx.msk [tilespmem:v13+s17+$0x0 ss:$0x1], $0xffff  }
0xf5: {  	s8 =	sadd.s32 s8, s7;
	v19 =	vmov s21;
	v30 =	vld.idx.msk [tilespmem:v6+s17+$0x0 ss:$0x1], $0xffff  }
0xf6: {  	v20 =	vmov s8;
	v31 =	vld.idx.msk [tilespmem:v15+s17+$0x0 ss:$0x1], $0xffff  }
0xf7: {  	v32 =	vld.idx.msk [tilespmem:v16+s17+$0x0 ss:$0x1], $0xffff  }
0xf8: {  	v33 =	vld.idx.msk [tilespmem:v17+s17+$0x0 ss:$0x1], $0xffff  }
0xf9: {  	v34 =	vld.idx.msk [tilespmem:v18+s17+$0x0 ss:$0x1], $0xffff  }
0xfa: {  	s8 =	simm.s32 $0x1;
	v35 =	vld.idx.msk [tilespmem:v19+s17+$0x0 ss:$0x1], $0xffff  }
0xfb: {  	s8 =	simm.s32 @!p0 $0x0;
	v36 =	vld.idx.msk [tilespmem:v20+s17+$0x0 ss:$0x1], $0xffff;
	v14 =	vmul.f32 $5.000000070e-02, v14;
	v21 =	vmul.f32 $5.000000070e-02, v21  }
0xfc: {  	s8 =	smul.u32 $0xFA00, s8;
	v37 =	vld.idx.msk [tilespmem:v5+s17+$0xFFFFFF80 ss:$0x1], $0xffff;
	v38 =	vmul.f32 $5.000000070e-02, v23;
	v40 =	vmul.f32 $5.000000070e-02, v24  }
0xfd: {  	v39 =	vld.idx.msk [tilespmem:v5+s17+$0xFFFFFF90 ss:$0x1], $0xffff;
	v41 =	vmul.f32 $5.000000070e-02, v25;
	v43 =	vmul.f32 $5.000000070e-02, v26  }
0xfe: {  	s8 =	sshrl.u32 s8, $0x2;
	v42 =	vld.idx.msk [tilespmem:v5+s17+$0xFFFFFFA0 ss:$0x1], $0xffff;
	v44 =	vmul.f32 $5.000000070e-02, v27;
	v46 =	vmul.f32 $5.000000070e-02, v28  }
0xff: {  	s22 =	sadd.s32 $0x17B00, s8;
	v45 =	vld.idx.msk [tilespmem:v5+s17+$0xFFFFFFB0 ss:$0x1], $0xffff;
	v47 =	vmul.f32 $5.000000070e-02, v29;
	v27 =	vmul.f32 $5.000000070e-02, v30  }
0x100: {  	v52 =	vld.idx.msk [tilespmem:v5+s17+$0xFFFFFFE0 ss:$0x1], $0xffff;
	v26 =	vmul.f32 $5.000000070e-02, v31;
	v22 =	vadd.f32 v22, v14;
	v14 =	vmov s22  }
0x101: {  	v29 =	vld.idx.msk [tilespmem:v5+s17+$0xFFFFFFC0 ss:$0x1], $0xffff;
	v25 =	vmul.f32 $5.000000070e-02, v32;
	v24 =	vmul.f32 $5.000000070e-02, v33  }
0x102: {  	v31 =	vld.idx.msk [tilespmem:v5+s17+$0xFFFFFFD0 ss:$0x1], $0xffff;
	v23 =	vmul.f32 $5.000000070e-02, v34;
	v30 =	vadd.f32 v37, v21;
	v53 =	vadd.f32 v39, v38  }
0x103: {  	v54 =	vld.idx.msk [tilespmem:v5+s17+$0xFFFFFFF0 ss:$0x1], $0xffff;
	v21 =	vmul.f32 $5.000000070e-02, v36;
	v56 =	vadd.f32 v42, v40;
	v22 =	vmax.f32 v22, $-1.000000000e+00  }
0x104: {  	v32 =	vld.idx.msk [tilespmem:v5+s17+$0x40 ss:$0x1], $0xffff;
	v57 =	vadd.f32 v45, v41;
	v55 =	vmax.f32 v30, $-1.000000000e+00;
	v28 =	vmin.f32 v22, $1.000000000e+00  }
0x105: {  	s5 =	smul.u32 $0xFC00, s5;
	v30 =	vld.idx.msk [tilespmem:v5+s17+$0x0 ss:$0x1], $0xffff;
	v33 =	vmax.f32 v53, $-1.000000000e+00;
	v58 =	vmax.f32 v56, $-1.000000000e+00;
	v34 =	vmin.f32 v55, $1.000000000e+00;
	[tilespmem:v14+s17+$0x70 ss:$0x1] =	vst.idx.msk $0xffff, v28  }
0x106: {  	s23 =	smul.u32 $0xFA00, s15;
	v61 =	vmax.f32 v57, $-1.000000000e+00;
	v33 =	vmin.f32 v33, $1.000000000e+00;
	v59 =	vadd.f32 v29, v43;
	v28 =	vld.idx.msk [tilespmem:v5+s17+$0x10 ss:$0x1], $0xffff;
	[tilespmem:v14+s17+$0xFFFFFF80 ss:$0x1] =	vst.idx.msk $0xffff, v34  }
0x107: {  	s19 =	sadd.s32 s1, s24;
	s1 =	simm.s32 $0x0;
	s5 =	sshrl.u32 s5, $0x2;
	v22 =	vmul.f32 $5.000000070e-02, v35;
	v29 =	vld.idx.msk [tilespmem:v5+s17+$0x20 ss:$0x1], $0xffff;
	v60 =	vmin.f32 v58, $1.000000000e+00;
	v62 =	vadd.f32 v31, v44;
	[tilespmem:v14+s17+$0xFFFFFF90 ss:$0x1] =	vst.idx.msk $0xffff, v33  }
0x108: {  	s21 =	sadd.s32 $0x17A80, s8;
	s8 =	sshrl.u32 s23, $0x2;
	s16 =	simm.s32 $0x3E00;
	v31 =	vld.idx.msk [tilespmem:v5+s17+$0x30 ss:$0x1], $0xffff;
	v63 =	vmin.f32 v61, $1.000000000e+00;
	[tilespmem:v14+s17+$0xFFFFFFA0 ss:$0x1] =	vst.idx.msk $0xffff, v60;
	v36 =	vmax.f32 v59, $-1.000000000e+00;
	v34 =	vadd.f32 v52, v46  }
0x109: {  	s20 =	sadd.s32 $0x17A80, s8;
	s22 =	sadd.s32 $0x200, s5;
	s5 =	simm.s32 $0x400;
	v35 =	vadd.f32 v54, v47;
	[tilespmem:v14+s17+$0xFFFFFFB0 ss:$0x1] =	vst.idx.msk $0xffff, v63;
	v37 =	vmax.f32 v62, $-1.000000000e+00;
	v33 =	vld.idx.msk [tilespmem:v5+s17+$0x50 ss:$0x1], $0xffff;
	v36 =	vmin.f32 v36, $1.000000000e+00  }
.LBB2_5:
0x10a: {  	s23 =	sshra.s32 s5, $0x2;
	s1 =	sadd.s32 $0x10, s1;
	[tilespmem:v14+s17+$0xFFFFFFC0 ss:$0x1] =	vst.idx.msk $0xffff, v36;
	v36 =	vmin.f32 v37, $1.000000000e+00;
	v34 =	vmax.f32 v34, $-1.000000000e+00;
	v27 =	vadd.f32 v30, v27;
	v30 =	vld.idx.msk [tilespmem:v5+s17+$0x60 ss:$0x1], $0xffff  }
0x10b: {  	v26 =	vadd.f32 v28, v26;
	v37 =	vld.idx.msk [tilespmem:v4+s23+$0x0 ss:$0x1], $0xffff;
	p1 =	slt.u32 s1, $0x3D0;
	[tilespmem:v14+s17+$0xFFFFFFD0 ss:$0x1] =	vst.idx.msk $0xffff, v36;
	v34 =	vmin.f32 v34, $1.000000000e+00;
	v35 =	vmax.f32 v35, $-1.000000000e+00  }
0x10c: {  	v25 =	vadd.f32 v29, v25;
	v28 =	vld.idx.msk [tilespmem:v6+s23+$0xFFFFFF80 ss:$0x1], $0xffff;
	[tilespmem:v14+s17+$0xFFFFFFE0 ss:$0x1] =	vst.idx.msk $0xffff, v34;
	v34 =	vmin.f32 v35, $1.000000000e+00;
	v27 =	vmax.f32 v27, $-1.000000000e+00  }
0x10d: {  	v26 =	vmax.f32 v26, $-1.000000000e+00;
	v24 =	vadd.f32 v31, v24;
	v29 =	vld.idx.msk [tilespmem:v5+s23+$0x70 ss:$0x1], $0xffff;
	[tilespmem:v14+s17+$0xFFFFFFF0 ss:$0x1] =	vst.idx.msk $0xffff, v34;
	v27 =	vmin.f32 v27, $1.000000000e+00  }
0x10e: {  	v26 =	vmin.f32 v26, $1.000000000e+00;
	v25 =	vmax.f32 v25, $-1.000000000e+00;
	v23 =	vadd.f32 v32, v23;
	v31 =	vld.idx.msk [tilespmem:v7+s23+$0x0 ss:$0x1], $0xffff;
	[tilespmem:v14+s17+$0x0 ss:$0x1] =	vst.idx.msk $0xffff, v27  }
0x10f: {  	v25 =	vmin.f32 v25, $1.000000000e+00;
	v24 =	vmax.f32 v24, $-1.000000000e+00;
	v22 =	vadd.f32 v33, v22;
	v27 =	vld.idx.msk [tilespmem:v8+s23+$0x0 ss:$0x1], $0xffff;
	[tilespmem:v14+s17+$0x10 ss:$0x1] =	vst.idx.msk $0xffff, v26  }
0x110: {  	v24 =	vmin.f32 v24, $1.000000000e+00;
	v23 =	vmax.f32 v23, $-1.000000000e+00;
	v21 =	vadd.f32 v30, v21;
	v26 =	vld.idx.msk [tilespmem:v9+s23+$0x0 ss:$0x1], $0xffff;
	[tilespmem:v14+s17+$0x20 ss:$0x1] =	vst.idx.msk $0xffff, v25  }
0x111: {  	v30 =	vmul.f32 $5.000000070e-02, v37;
	v23 =	vmin.f32 v23, $1.000000000e+00;
	v22 =	vmax.f32 v22, $-1.000000000e+00;
	v25 =	vld.idx.msk [tilespmem:v10+s23+$0x0 ss:$0x1], $0xffff;
	[tilespmem:v14+s17+$0x30 ss:$0x1] =	vst.idx.msk $0xffff, v24  }
0x112: {  	v28 =	vmul.f32 $5.000000070e-02, v28;
	v22 =	vmin.f32 v22, $1.000000000e+00;
	v21 =	vmax.f32 v21, $-1.000000000e+00;
	v24 =	vld.idx.msk [tilespmem:v11+s23+$0x0 ss:$0x1], $0xffff;
	[tilespmem:v14+s17+$0x40 ss:$0x1] =	vst.idx.msk $0xffff, v23  }
0x113: {  	v29 =	vadd.f32 v29, v30;
	v21 =	vmin.f32 v21, $1.000000000e+00;
	v23 =	vld.idx.msk [tilespmem:v12+s23+$0x0 ss:$0x1], $0xffff;
	[tilespmem:v14+s17+$0x50 ss:$0x1] =	vst.idx.msk $0xffff, v22  }
0x114: {  	v30 =	vmul.f32 $5.000000070e-02, v31;
	v22 =	vld.idx.msk [tilespmem:v13+s23+$0x0 ss:$0x1], $0xffff;
	[tilespmem:v14+s17+$0x60 ss:$0x1] =	vst.idx.msk $0xffff, v21;
	s17 =	smov.u32 s23  }
0x115: {  	v31 =	vmul.f32 $5.000000070e-02, v27;
	v27 =	vmax.f32 v29, $-1.000000000e+00;
	v21 =	vld.idx.msk [tilespmem:v6+s17+$0x0 ss:$0x1], $0xffff  }
0x116: {  	v29 =	vmul.f32 $5.000000070e-02, v26;
	v27 =	vmin.f32 v27, $1.000000000e+00;
	v26 =	vld.idx.msk [tilespmem:v15+s17+$0x0 ss:$0x1], $0xffff  }
0x117: {  	v32 =	vmul.f32 $5.000000070e-02, v25;
	v25 =	vld.idx.msk [tilespmem:v16+s17+$0x0 ss:$0x1], $0xffff;
	[tilespmem:v14+s17+$0x70 ss:$0x1] =	vst.idx.msk $0xffff, v27  }
0x118: {  	v33 =	vmul.f32 $5.000000070e-02, v24;
	v24 =	vld.idx.msk [tilespmem:v17+s17+$0x0 ss:$0x1], $0xffff  }
0x119: {  	v34 =	vmul.f32 $5.000000070e-02, v23;
	v23 =	vld.idx.msk [tilespmem:v18+s17+$0x0 ss:$0x1], $0xffff  }
0x11a: {  	v35 =	vmul.f32 $5.000000070e-02, v22;
	v22 =	vld.idx.msk [tilespmem:v19+s17+$0x0 ss:$0x1], $0xffff  }
0x11b: {  	v27 =	vmul.f32 $5.000000070e-02, v21;
	v21 =	vld.idx.msk [tilespmem:v20+s17+$0x0 ss:$0x1], $0xffff  }
0x11c: {  	v26 =	vmul.f32 $5.000000070e-02, v26;
	v36 =	vld.idx.msk [tilespmem:v5+s17+$0xFFFFFF80 ss:$0x1], $0xffff  }
0x11d: {  	v25 =	vmul.f32 $5.000000070e-02, v25;
	v37 =	vld.idx.msk [tilespmem:v5+s17+$0xFFFFFF90 ss:$0x1], $0xffff  }
0x11e: {  	v24 =	vmul.f32 $5.000000070e-02, v24;
	v38 =	vld.idx.msk [tilespmem:v5+s17+$0xFFFFFFA0 ss:$0x1], $0xffff  }
0x11f: {  	v23 =	vmul.f32 $5.000000070e-02, v23;
	v39 =	vld.idx.msk [tilespmem:v5+s17+$0xFFFFFFB0 ss:$0x1], $0xffff  }
0x120: {  	v22 =	vmul.f32 $5.000000070e-02, v22;
	v40 =	vld.idx.msk [tilespmem:v5+s17+$0xFFFFFFC0 ss:$0x1], $0xffff  }
0x121: {  	v21 =	vmul.f32 $5.000000070e-02, v21;
	v41 =	vld.idx.msk [tilespmem:v5+s17+$0xFFFFFFD0 ss:$0x1], $0xffff  }
0x122: {  	v28 =	vadd.f32 v36, v28;
	v36 =	vld.idx.msk [tilespmem:v5+s17+$0xFFFFFFE0 ss:$0x1], $0xffff  }
0x123: {  	v37 =	vadd.f32 v37, v30;
	v42 =	vld.idx.msk [tilespmem:v5+s17+$0xFFFFFFF0 ss:$0x1], $0xffff  }
0x124: {  	v28 =	vmax.f32 v28, $-1.000000000e+00;
	v31 =	vadd.f32 v38, v31;
	v30 =	vld.idx.msk [tilespmem:v5+s17+$0x0 ss:$0x1], $0xffff  }
.Ltmp1:
0x125: {  	v38 =	vmin.f32 v28, $1.000000000e+00;
	v37 =	vmax.f32 v37, $-1.000000000e+00;
	v39 =	vadd.f32 v39, v29;
	v28 =	vld.idx.msk [tilespmem:v5+s17+$0x10 ss:$0x1], $0xffff;
	(pc) =	sbr.rel @p1 .LBB2_5-.Ltmp1, $4  }
0x126: {  	v37 =	vmin.f32 v37, $1.000000000e+00;
	v31 =	vmax.f32 v31, $-1.000000000e+00;
	v32 =	vadd.f32 v40, v32;
	[tilespmem:v14+s17+$0xFFFFFF80 ss:$0x1] =	vst.idx.msk $0xffff, v38;
	v29 =	vld.idx.msk [tilespmem:v5+s17+$0x20 ss:$0x1], $0xffff  }
0x127: {  	v38 =	vmax.f32 v39, $-1.000000000e+00;
	v33 =	vadd.f32 v41, v33;
	[tilespmem:v14+s17+$0xFFFFFF90 ss:$0x1] =	vst.idx.msk $0xffff, v37;
	v37 =	vmin.f32 v31, $1.000000000e+00;
	v31 =	vld.idx.msk [tilespmem:v5+s17+$0x30 ss:$0x1], $0xffff  }
0x128: {  	v34 =	vadd.f32 v36, v34;
	[tilespmem:v14+s17+$0xFFFFFFA0 ss:$0x1] =	vst.idx.msk $0xffff, v37;
	v37 =	vmin.f32 v38, $1.000000000e+00;
	v38 =	vmax.f32 v32, $-1.000000000e+00;
	v32 =	vld.idx.msk [tilespmem:v5+s17+$0x40 ss:$0x1], $0xffff  }
0x129: {  	s5 =	sadd.s32 $0x400, s5;
	v35 =	vadd.f32 v42, v35;
	[tilespmem:v14+s17+$0xFFFFFFB0 ss:$0x1] =	vst.idx.msk $0xffff, v37;
	v36 =	vmin.f32 v38, $1.000000000e+00;
	v37 =	vmax.f32 v33, $-1.000000000e+00;
	v33 =	vld.idx.msk [tilespmem:v5+s17+$0x50 ss:$0x1], $0xffff  }
0x12a: {  	_ =	sdelay $0x3  }
0x12b: {  	[tilespmem:v14+s17+$0xFFFFFFC0 ss:$0x1] =	vst.idx.msk $0xffff, v36;
	v4 =	vmin.f32 v37, $1.000000000e+00;
	v6 =	vmax.f32 v34, $-1.000000000e+00;
	v7 =	vadd.f32 v30, v27  }
0x12c: {  	v5 =	vld.idx.msk [tilespmem:v5+s17+$0x60 ss:$0x1], $0xffff;
	v8 =	vadd.f32 v28, v26;
	[tilespmem:v14+s17+$0xFFFFFFD0 ss:$0x1] =	vst.idx.msk $0xffff, v4;
	v4 =	vmin.f32 v6, $1.000000000e+00;
	v53 =	vmax.f32 v35, $-1.000000000e+00  }
0x12d: {  	v55 =	vadd.f32 v29, v25;
	[tilespmem:v14+s17+$0xFFFFFFE0 ss:$0x1] =	vst.idx.msk $0xffff, v4;
	v4 =	vmin.f32 v53, $1.000000000e+00;
	v54 =	vmax.f32 v7, $-1.000000000e+00  }
0x12e: {  	v56 =	vmax.f32 v8, $-1.000000000e+00;
	v57 =	vadd.f32 v31, v24;
	[tilespmem:v14+s17+$0xFFFFFFF0 ss:$0x1] =	vst.idx.msk $0xffff, v4;
	v4 =	vmin.f32 v54, $1.000000000e+00  }
0x12f: {  	v58 =	vmax.f32 v55, $-1.000000000e+00;
	v59 =	vadd.f32 v32, v23;
	[tilespmem:v14+s17+$0x0 ss:$0x1] =	vst.idx.msk $0xffff, v4;
	v4 =	vmin.f32 v56, $1.000000000e+00  }
0x130: {  	v60 =	vmax.f32 v57, $-1.000000000e+00;
	v61 =	vadd.f32 v33, v22;
	[tilespmem:v14+s17+$0x10 ss:$0x1] =	vst.idx.msk $0xffff, v4;
	v4 =	vmin.f32 v58, $1.000000000e+00  }
0x131: {  	v62 =	vmax.f32 v59, $-1.000000000e+00;
	v5 =	vadd.f32 v5, v21;
	[tilespmem:v14+s17+$0x20 ss:$0x1] =	vst.idx.msk $0xffff, v4;
	v4 =	vmin.f32 v60, $1.000000000e+00  }
0x132: {  	v63 =	vmax.f32 v61, $-1.000000000e+00;
	[tilespmem:v14+s17+$0x30 ss:$0x1] =	vst.idx.msk $0xffff, v4;
	v4 =	vmin.f32 v62, $1.000000000e+00  }
0x133: {  	v5 =	vmax.f32 v5, $-1.000000000e+00;
	[tilespmem:v14+s17+$0x40 ss:$0x1] =	vst.idx.msk $0xffff, v4;
	v4 =	vmin.f32 v63, $1.000000000e+00  }
0x134: {  	[tilespmem:v14+s17+$0x50 ss:$0x1] =	vst.idx.msk $0xffff, v4;
	v4 =	vmin.f32 v5, $1.000000000e+00  }
0x135: {  	[tilespmem:v14+s17+$0x60 ss:$0x1] =	vst.idx.msk $0xffff, v4  }
.LBB2_7:
0x136: {  	s1 =	sadd.s32 s16, s25  }
0x137: {  	s5 =	sand.u32 $0x7F80, s1  }
0x138: {  	s1 =	sand.u32 $0x7F, s1;
	s5 =	sadd.s32 s5, s22  }
0x139: {  	s1 =	sadd.s32 s1, s5  }
0x13a: {  	s23 =	sand.u32 $0x3FFFFF80, s16;
	v4 =	vld [tilespmem:s1+$0x0]  }
0x13b: {  	s17 =	sadd.s32 s23, s19  }
0x13c: {  	v5 =	vld [tilespmem:s17+$0x0];
	_ =	sdelay $0x2  }
0x13d: {  	v4 =	vmul.f32 $5.000000070e-02, v4  }
0x13e: {  	p1 =	sne.s32 s16, $0x3E70  }
.Ltmp2:
0x13f: {  	v4 =	vadd.f32 v5, v4;
	(pc) =	sbr.rel @p1 .LBB2_7-.Ltmp2, $4  }
0x140: {  	_ = 	snop  }
0x141: {  	v4 =	vmax.f32 v4, $-1.000000000e+00  }
0x142: {  	s23 =	sadd.s32 s23, s21;
	v4 =	vmin.f32 v4, $1.000000000e+00  }
0x143: {  	s16 =	sadd.s32 $0x10, s16;
	s21 =	sadd.s32 $0x10, s21;
	s19 =	sadd.s32 $0x10, s19;
	[tilespmem:s23+$0x0] =	vst v4  }
0x144: {  	s1 =	smulhi.u32 $0xCCCCCCCD, s14;
	_ =	sdelay $0x1  }
0x145: {  	s5 =	sshll.u32 s1, $0x1  }
0x146: {  	s5 =	sand.u32 $0x3FFFFFF8, s5  }
0x147: {  	v4 =	vld.msk [tilespmem:s5+$0x80], $0x1;
	_ =	sdelay $0x4  }
0x148: {  	v5 =	vshrl.u32 v4, $0x3  }
0x149: {  	v5 =	vmul.u32 $0x1388, v5  }
0x14a: {  	v4 =	vand.u32 $0x7, v4  }
0x14b: {  	v4 =	vor.u32 v4, v5  }
0x14c: {  	s1 =	sshrl.u32 s1, $0x2;
	v4 =	vperm.xlane v4, v2  }
0x14d: {  	s17 =	rddreg [dreg:$0x4];
	s1 =	smul.u32 $0x5, s1  }
0x14e: {  	s19 =	sadd.s32 $0x18280, s8;
	s22 =	sadd.s32 $0x19280, s8;
	s26 =	sadd.s32 $0x3F00, s26;
	v4 =	vadd.s32 v3, v4  }
0x14f: {  	s28 =	sadd.s32 $0x3F00, s28;
	s29 =	sadd.s32 $0x3F00, s29;
	s1 =	ssub.s32 s14, s1  }
0x150: {  	s30 =	sadd.s32 $0x3F00, s30;
	s31 =	sadd.s32 $0x3F00, s31;
	s1 =	smul.u32 $0x3E80, s1  }
0x151: {  	s0 =	sadd.s32 $0x3F00, s0;
	s7 =	sadd.s32 $0x3F00, s7;
	s3 =	sadd.s32 $0x3F00, s3  }
0x152: {  	s4 =	sadd.s32 $0x3F00, s4;
	s5 =	sadd.s32 $0x7, s15;
	s1 =	sadd.s32 s17, s1  }
0x153: {  	[hbm4b:s1+s6] =	stream.indirect_vreg.scatter [tilespmem:s20], [sflag:s5], $0x80, v4, vm0, $0xb8;
	[tilespmem:$0x1F780] =	vst v63  }
0x154: {  	s18 =	sadd.s32 $0x3F00, s18;
	s13 =	sadd.s32 $0x3E80, s13;
	s16 =	sadd.s32 $0x800, s1  }
0x155: {  	[hbm4b:s16+s6] =	stream.indirect_vreg.scatter [tilespmem:s19], [sflag:s5], $0x80, v4, vm0, $0xb8;
	[tilespmem:$0x1F780] =	vst v63  }
0x156: {  	p0 =	por !p0, !p0;
	s21 =	sadd.s32 $0x1000, s1;
	s20 =	sadd.s32 $0x18A80, s8  }
0x157: {  	[hbm4b:s21+s6] =	stream.indirect_vreg.scatter [tilespmem:s20], [sflag:s5], $0x80, v4, vm0, $0xb8;
	[tilespmem:$0x1F780] =	vst v63  }
0x158: {  	s2 =	sadd.s32 $0x3F00, s2;
	s9 =	sadd.s32 $0x3F00, s9;
	s23 =	sadd.s32 $0x1800, s1  }
0x159: {  	[hbm4b:s23+s6] =	stream.indirect_vreg.scatter [tilespmem:s22], [sflag:s5], $0x80, v4, vm0, $0xb8;
	[tilespmem:$0x1F780] =	vst v63  }
0x15a: {  	s14 =	sadd.s32 $0x1, s14;
	s17 =	sadd.s32 $0x2000, s1;
	s16 =	sadd.s32 $0x19A80, s8  }
0x15b: {  	[hbm4b:s17+s6] =	stream.indirect_vreg.scatter [tilespmem:s16], [sflag:s5], $0x80, v4, vm0, $0xb8;
	[tilespmem:$0x1F780] =	vst v63  }
0x15c: {  	p1 =	sne.s32 s14, $0xA;
	s19 =	sadd.s32 $0x1A280, s8;
	s20 =	sadd.s32 $0x2800, s1  }
0x15d: {  	[hbm4b:s20+s6] =	stream.indirect_vreg.scatter [tilespmem:s19], [sflag:s5], $0x80, v4, vm0, $0xb8;
	[tilespmem:$0x1F780] =	vst v63  }
.Ltmp3:
0x15e: {  	s10 =	sadd.s32 $0x3F00, s10;
	s11 =	sadd.s32 $0x3F00, s11;
	(pc) =	sbr.rel @p1 .LBB2_2-.Ltmp3, $4  }
0x15f: {  	s12 =	sadd.s32 $0x3F00, s12;
	s21 =	sadd.s32 $0x1AA80, s8;
	s22 =	sadd.s32 $0x3000, s1  }
0x160: {  	[hbm4b:s22+s6] =	stream.indirect_vreg.scatter [tilespmem:s21], [sflag:s5], $0x80, v4, vm0, $0xb8;
	[tilespmem:$0x1F780] =	vst v63  }
0x161: {  	s24 =	sadd.s32 $0x3E80, s24;
	s23 =	sadd.s32 $0x1B280, s8;
	s1 =	sadd.s32 $0x3800, s1  }
0x162: {  	[hbm4b:s1+s6] =	stream.indirect_vreg.scatter [tilespmem:s23], [sflag:s5], $0x80, v4, vm2, $0xb8;
	[tilespmem:$0x1F780] =	vst v63  }
0x163: {  	s0 =	simm.s32 $0x7  }
0x164: {  	_ =	swait.ge [sflag:s0], $0x3E80  }
0x165: {  	[sflag:s0] =	ssyncset.done $0x0  }
0x166: {  	s1 =	simm.s32 $0x8;
	[sflag:s0] =	ssyncadd.s32 $0xFFFFC180  }
0x167: {  	_ =	swait.ge [sflag:s1], $0x3E80  }
0x168: {  	s2 =	rddreg [dreg:$0x10]  }
0x169: {  	s31 =	rddreg [dreg:$0xf];
	s2 =	sadd.s32 $0x1, s2  }
0x16a: {  	p0 =	sne.s32 s2, s31  }
.Ltmp4:
0x16b: {  	_ = 	snop;
	(pc) =	sbr.rel @p0 .LBB2_1-.Ltmp4, $3  }
0x16c: {  	_ =	sdelay $0x1  }
0x16d: {  	[sflag:s1] =	ssyncset.done $0x0  }
0x16e: {  	[sflag:s1] =	ssyncadd.s32 $0xFFFFC180  }
0x16f: {  	_ =	sfence.sel $0x180000  }
0x170: {  	[bflag:$0x0] =	sbarrier.arrive $0xFFFF  }
0x171: {  	_ =	strace $0x90000047  }
0x172: {  	s0 =	stileid.u32;
	[bflag:$0x2] =	sbarrier.arrive $0xFFFF  }
0x173: {  	p0 =	sne.s32 s0, $0x0;
	s0 =	rddreg [dreg:$0x5]  }
0x174: {  	s0 =	sadd.s32 @!p0 $0x100000, s0  }
0x175: {  	[sflag:s0] =	ssyncadd.tile.s32 @!p0 $0x1;
	_ =	shalt  }
.Lfunc_end2:
_tile_overlayer_lowered:
.L_overlay_start_2:
0x176: {  	(tag) =	ssettag $0x2  }
0x177: {  	s0 =	rddreg [dreg:$0x0];
	s2 =	stileid.u32  }
0x178: {  	s1 =	rddreg [dreg:$0x1];
	p0 =	sne.s32 s2, $0x0  }
0x179: {  	s3 =	rddreg [dreg:$0x2];
	[bflag:$0x3] =	sbarrier.arrive $0xFFFF;
	s2 =	simm.s32 @!p0 $0x1C09  }
0x17a: {  	[timem:s3], [sflag:s2] =	dma.local @!p0 [hbm:s0], s1  }
0x17b: {  	s0 =	simm.s32 @!p0 $0x9  }
0x17c: {  	_ =	swait.ge @!p0 [sflag:s0], s1  }
0x17d: {  	s1 =	ssub.s32 @!p0 $0x0, s1;
	[sflag:s0] =	ssyncset.done @!p0 $0x0  }
0x17e: {  	[sflag:s0] =	ssyncadd.s32 @!p0 s1  }
0x17f: {  	[bflag:$0x3] =	sbarrier.arrive $0xFFFF  }
0x180: {  	_ =	shalt  }

</sc_bundles>
